<compile_context>
chip_gen: v7x
topology: tpu7x:2x2x1
jax: 0.10.2.dev20260603
libtpu: 0.0.44.dev20260713+nightly
codegen_flags: <defaults>
</compile_context>

<pallas_src>
import functools

import jax
import jax.numpy as jnp
from jax import lax
from jax.experimental import pallas as pl
from jax.experimental.pallas import tpu as pltpu
from jax.experimental.pallas import tpu_sc as plsc

N = 10000
D_IN = 128
D_HID = 128
D_OUT = 64
E = 320000
NW = 32
EPT = E // NW
STRIPE = N // 16

_mesh = plsc.VectorSubcoreMesh(core_axis_name="c", subcore_axis_name="s")


@functools.partial(
    pl.kernel,
    mesh=_mesh,
    out_type=jax.ShapeDtypeStruct((NW, 2, N), jnp.float32),
    compiler_params=pltpu.CompilerParams(needs_layout_passes=False),
    scratch_types=[
        pltpu.VMEM((EPT,), jnp.int32),
        pltpu.VMEM((EPT,), jnp.int32),
        pltpu.VMEM((N,), jnp.float32),
        pltpu.VMEM((N,), jnp.float32),
        pltpu.SemaphoreType.DMA,
        pltpu.SemaphoreType.DMA,
    ],
)
def _deg_kernel(src_hbm, dst_hbm, out_hbm, src_v, dst_v,
                sdeg, ddeg, semA, semB):
    cid = lax.axis_index("c")
    sid = lax.axis_index("s")
    wid = sid * 2 + cid

    a1 = pltpu.async_copy(src_hbm.at[wid], src_v, semA)
    a2 = pltpu.async_copy(dst_hbm.at[wid], dst_v, semB)

    zeros16 = jnp.zeros((16,), jnp.float32)

    def zero_body(i, _):
        sdeg[pl.ds(i * 16, 16)] = zeros16
        ddeg[pl.ds(i * 16, 16)] = zeros16
        return _

    lax.fori_loop(0, N // 16, zero_body, 0)
    a1.wait()
    a2.wait()

    ones16 = jnp.ones((16,), jnp.float32)

    def hist_body(t, _):
        for u in range(5):
            si = src_v[pl.ds(t * 80 + u * 16, 16)]
            plsc.addupdate_scatter(sdeg, [si], ones16)
            di = dst_v[pl.ds(t * 80 + u * 16, 16)]
            plsc.addupdate_scatter(ddeg, [di], ones16)
        return _

    lax.fori_loop(0, EPT // 80, hist_body, 0)

    pltpu.sync_copy(sdeg, out_hbm.at[wid, 0])
    pltpu.sync_copy(ddeg, out_hbm.at[wid, 1])


def _make_prop(D, K, CH, NB):
    @functools.partial(
        pl.kernel,
        mesh=_mesh,
        out_type=jax.ShapeDtypeStruct((2, N, D), jnp.float32),
        compiler_params=pltpu.CompilerParams(use_tc_tiling_on_sc=False),
        scratch_types=[
            pltpu.VMEM((CH, K), jnp.int32),
            pltpu.VMEM((CH, K), jnp.int32),
            [pltpu.VMEM((K, D), jnp.float32)] * NB,
            pltpu.VMEM_SHARED((N, D), jnp.float32),
            [pltpu.SemaphoreType.DMA] * NB,
            pltpu.SemaphoreType.DMA,
        ],
    )
    def prop(m_hbm, src_hbm, dst_hbm, zeros_hbm, out_hbm,
             src_v, dst_v, bufs, acc, sems, semz):
        cid = lax.axis_index("c")
        sid = lax.axis_index("s")
        wid = sid * 2 + cid

        def start(j, b):
            pltpu.async_copy(m_hbm.at[src_v.at[j]], bufs[b], sems[b])

        def finish(j, b):
            pltpu.make_async_copy(m_hbm.at[src_v.at[j]], bufs[b],
                                  sems[b]).wait()
            pltpu.sync_copy(bufs[b], acc.at[dst_v.at[j]], add=True)

        az = pltpu.async_copy(zeros_hbm.at[pl.ds(sid * STRIPE, STRIPE)],
                              acc.at[pl.ds(sid * STRIPE, STRIPE)], semz)
        a1 = pltpu.async_copy(src_hbm.at[wid], src_v, sems[0])
        a2 = pltpu.async_copy(dst_hbm.at[wid], dst_v, sems[1 % NB])
        a1.wait()
        a2.wait()
        for j in range(NB):
            start(j, j)
        az.wait()
        plsc.subcore_barrier()

        n_full = (CH - NB) // NB

        def body(i, _):
            j0 = NB * i
            for b in range(NB):
                finish(j0 + b, b)
                start(j0 + b + NB, b)
            return _

        lax.fori_loop(0, n_full, body, 0)
        for j in range(n_full * NB, CH):
            finish(j, j % NB)
            if j + NB < CH:
                start(j + NB, j % NB)

        plsc.subcore_barrier()
        pltpu.sync_copy(acc.at[pl.ds(sid * STRIPE, STRIPE)],
                        out_hbm.at[cid, pl.ds(sid * STRIPE, STRIPE)])

    return prop


_prop_h = _make_prop(D_HID, 80, 125, 3)
_prop_o = _make_prop(D_OUT, 125, 80, 4)


def _tc1_body(deg_ref, x_ref, w1_ref, m1_ref, norms_ref):
    deg = jnp.sum(deg_ref[...], axis=0)
    norms = jnp.where(deg > 0, lax.rsqrt(jnp.maximum(deg, 1.0)), 0.0)
    norms_ref[...] = norms
    m1 = jnp.dot(x_ref[...], w1_ref[...], preferred_element_type=jnp.float32)
    m1_ref[...] = m1 * norms[0][:, None]


def _tc2_body(p1_ref, norms_ref, b1_ref, w2_ref, m2_ref):
    agg = (p1_ref[0] + p1_ref[1]) * norms_ref[1][:, None]
    h = jnp.maximum(agg + b1_ref[...], 0.0)
    m2 = jnp.dot(h, w2_ref[...], preferred_element_type=jnp.float32)
    m2_ref[...] = m2 * norms_ref[0][:, None]


def _tc3_body(p2_ref, norms_ref, b2_ref, out_ref):
    out_ref[...] = ((p2_ref[0] + p2_ref[1]) * norms_ref[1][:, None]
                    + b2_ref[...])


_tc1 = pl.pallas_call(
    _tc1_body,
    out_shape=(jax.ShapeDtypeStruct((N, D_HID), jnp.float32),
               jax.ShapeDtypeStruct((2, N), jnp.float32)),
)
_tc2 = pl.pallas_call(
    _tc2_body,
    out_shape=jax.ShapeDtypeStruct((N, D_OUT), jnp.float32),
)
_tc3 = pl.pallas_call(
    _tc3_body,
    out_shape=jax.ShapeDtypeStruct((N, D_OUT), jnp.float32),
)


@jax.jit
def _run(features, edge_index, W1, b1, W2, b2):
    src = edge_index[0].astype(jnp.int32)
    dst = edge_index[1].astype(jnp.int32)
    src_flat = src.reshape(NW, EPT)
    dst_flat = dst.reshape(NW, EPT)
    src_h = src.reshape(NW, 125, 80)
    dst_h = dst.reshape(NW, 125, 80)
    src_o = src.reshape(NW, 80, 125)
    dst_o = dst.reshape(NW, 80, 125)

    zeros_h = jnp.zeros((N, D_HID), jnp.float32)
    zeros_o = jnp.zeros((N, D_OUT), jnp.float32)
    deg_parts = _deg_kernel(src_flat, dst_flat)
    m1, norms = _tc1(deg_parts, features, W1)
    p1 = _prop_h(m1, src_h, dst_h, zeros_h)
    m2 = _tc2(p1, norms, b1.reshape(1, D_HID), W2)
    p2 = _prop_o(m2, src_o, dst_o, zeros_o)
    out = _tc3(p2, norms, b2.reshape(1, D_OUT))
    return out


def kernel(features, edge_index, W1, b1, W2, b2):
    return _run(features, edge_index, W1, b1, W2, b2)

# --- scband reference (transcript-rebuilt; emitter-appended) ---
"""Pipeline reference for scband-gcn-73890617360513 (READ-ONLY COPY).

The authoritative reference and input builder live on the scoring server;
editing this copy changes nothing except your own understanding.
"""

import jax, jax.numpy as jnp
import numpy as np

N = 10000
E = 320000
D_IN = 128
D_HID = 128
N_CLASSES = 64

def setup_inputs(seed: int = 0) -> dict:
    key = jax.random.key(seed)
    k1, k2, k3, k4, k5, k6 = jax.random.split(key, 6)
    features = jax.random.normal(k1, (N, D_IN), dtype=jnp.float32)
    edge_index = jax.random.randint(k2, (2, E), 0, N, dtype=jnp.int64)
    # Glorot-style init for GraphConv weights
    W1 = jax.random.normal(k3, (D_IN, D_HID), dtype=jnp.float32) * (1.0 / np.sqrt(D_IN))
    b1 = jnp.zeros((D_HID,), dtype=jnp.float32)
    W2 = jax.random.normal(k4, (D_HID, N_CLASSES), dtype=jnp.float32) * (1.0 / np.sqrt(D_HID))
    b2 = jnp.zeros((N_CLASSES,), dtype=jnp.float32)
    return {"features": features, "edge_index": edge_index, "W1": W1, "b1": b1, "W2": W2, "b2": b2}

def _graph_conv(x, src, dst, W, b, activation=None):
    # DGL GraphConv with norm='both': out = D_in^{-1/2} A D_out^{-1/2} X W + b
    n = x.shape[0]
    ones = jnp.ones((src.shape[0],), dtype=jnp.float32)
    out_deg = jnp.zeros((n,), dtype=jnp.float32).at[src].add(ones)
    in_deg = jnp.zeros((n,), dtype=jnp.float32).at[dst].add(ones)
    out_norm = jnp.where(out_deg > 0, jax.lax.rsqrt(jnp.maximum(out_deg, 1.0)), 0.0)
    in_norm = jnp.where(in_deg > 0, jax.lax.rsqrt(jnp.maximum(in_deg, 1.0)), 0.0)
    h = x * out_norm[:, None]
    # gather messages from src, scatter-add into dst
    msgs = jnp.take(h, src, axis=0)
    agg = jnp.zeros((n, h.shape[1]), dtype=h.dtype).at[dst].add(msgs)
    agg = agg * in_norm[:, None]
    out = agg @ W + b
    if activation is not None:
        out = activation(out)
    return out

def reference(features, edge_index, W1, b1, W2, b2):
    src = edge_index[0]
    dst = edge_index[1]
    h = _graph_conv(features, src, dst, W1, b1, activation=jax.nn.relu)
    # dropout is identity in eval/reference mode
    h = _graph_conv(h, src, dst, W2, b2, activation=None)
    return h

if __name__ == "__main__":
    import jax
    _d = setup_inputs()
    print(jax.jit(kernel)(*tuple(_d.values())))

</pallas_src>

<mosaic_0001>
#map = affine_map<(d0, d1) -> (0, 0)>
#map1 = affine_map<(d0, d1) -> (0, 0, 0)>
module attributes {stable_mosaic.version = 14 : i64} {
  func.func @prop(%arg0: i32, %arg1: i32, %arg2: memref<10000x64xf32, #tpu.memory_space<hbm>>, %arg3: memref<32x80x125xi32, #tpu.memory_space<hbm>>, %arg4: memref<32x80x125xi32, #tpu.memory_space<hbm>>, %arg5: memref<10000x64xf32, #tpu.memory_space<hbm>>, %arg6: memref<2x10000x64xf32, #tpu.memory_space<hbm>>, %arg7: memref<80x125xi32, #tpu.memory_space<vmem>>, %arg8: memref<80x125xi32, #tpu.memory_space<vmem>>, %arg9: memref<125x64xf32, #tpu.memory_space<vmem>>, %arg10: memref<125x64xf32, #tpu.memory_space<vmem>>, %arg11: memref<125x64xf32, #tpu.memory_space<vmem>>, %arg12: memref<125x64xf32, #tpu.memory_space<vmem>>, %arg13: memref<10000x64xf32, #tpu.memory_space<vmem_shared>>, %arg14: memref<!tpu.dma_semaphore, #tpu.memory_space<semaphore_mem>>, %arg15: memref<!tpu.dma_semaphore, #tpu.memory_space<semaphore_mem>>, %arg16: memref<!tpu.dma_semaphore, #tpu.memory_space<semaphore_mem>>, %arg17: memref<!tpu.dma_semaphore, #tpu.memory_space<semaphore_mem>>, %arg18: memref<!tpu.dma_semaphore, #tpu.memory_space<semaphore_mem>>) attributes {dimension_semantics = [#tpu.dimension_semantics<core_parallel>, #tpu.dimension_semantics<subcore_parallel>], iteration_bounds = array<i64: 2, 16>, scalar_prefetch = 0 : i64, scratch_operands = 12 : i64, tpu.core_type = #tpu.core_type<sc_vector_subcore>, window_params = [{transform_indices = #map}, {transform_indices = #map1}, {transform_indices = #map1}, {transform_indices = #map}, {transform_indices = #map1}]} {
    %mul3A = arith.constant 2 : i32
    %mul3A_0 = arith.muli %arg1, %mul3A : i32
    %add3A = arith.addi %mul3A_0, %arg0 : i32
    %mul3A_1 = arith.constant 625 : i32
    %mul3A_2 = arith.muli %arg1, %mul3A_1 : i32
    %mul3A_3 = arith.constant 625 : i32
    %mul3A_4 = arith.muli %arg1, %mul3A_3 : i32
    %dma_start3A = arith.constant 0 : i32
    %dma_start3A_5 = tpu.memref_slice %arg13[%mul3A_4, %dma_start3A] : memref<10000x64xf32, #tpu.memory_space<vmem_shared>> -> memref<625x64xf32, #tpu.memory_space<vmem_shared>>
    %dma_start3A_6 = arith.constant 0 : i32
    %dma_start3A_7 = tpu.memref_slice %arg5[%mul3A_2, %dma_start3A_6] : memref<10000x64xf32, #tpu.memory_space<hbm>> -> memref<625x64xf32, #tpu.memory_space<hbm>>
    tpu.enqueue_dma source(%dma_start3A_7 : memref<625x64xf32, #tpu.memory_space<hbm>>) target(%dma_start3A_5 : memref<625x64xf32, #tpu.memory_space<vmem_shared>>) target_semaphore(%arg18 : memref<!tpu.dma_semaphore, #tpu.memory_space<semaphore_mem>>)
    %dma_start3A_8 = arith.constant 0 : i32
    %dma_start3A_9 = arith.constant 0 : i32
    %dma_start3A_10 = tpu.memref_slice %arg3[%add3A, %dma_start3A_8, %dma_start3A_9] : memref<32x80x125xi32, #tpu.memory_space<hbm>> -> memref<1x80x125xi32, #tpu.memory_space<hbm>>
    %dma_start3A_11 = tpu.memref_squeeze %dma_start3A_10 : memref<1x80x125xi32, #tpu.memory_space<hbm>> -> memref<80x125xi32, #tpu.memory_space<hbm>>
    %dma_start3A_12 = arith.constant 0 : i32
    %dma_start3A_13 = arith.constant 0 : i32
    %dma_start3A_14 = tpu.memref_slice %arg3[%add3A, %dma_start3A_12, %dma_start3A_13] : memref<32x80x125xi32, #tpu.memory_space<hbm>> -> memref<1x80x125xi32, #tpu.memory_space<hbm>>
    %dma_start3A_15 = tpu.memref_squeeze %dma_start3A_14 : memref<1x80x125xi32, #tpu.memory_space<hbm>> -> memref<80x125xi32, #tpu.memory_space<hbm>>
    tpu.enqueue_dma source(%dma_start3A_15 : memref<80x125xi32, #tpu.memory_space<hbm>>) target(%arg7 : memref<80x125xi32, #tpu.memory_space<vmem>>) target_semaphore(%arg14 : memref<!tpu.dma_semaphore, #tpu.memory_space<semaphore_mem>>)
    %dma_start3A_16 = arith.constant 0 : i32
    %dma_start3A_17 = arith.constant 0 : i32
    %dma_start3A_18 = tpu.memref_slice %arg4[%add3A, %dma_start3A_16, %dma_start3A_17] : memref<32x80x125xi32, #tpu.memory_space<hbm>> -> memref<1x80x125xi32, #tpu.memory_space<hbm>>
    %dma_start3A_19 = tpu.memref_squeeze %dma_start3A_18 : memref<1x80x125xi32, #tpu.memory_space<hbm>> -> memref<80x125xi32, #tpu.memory_space<hbm>>
    %dma_start3A_20 = arith.constant 0 : i32
    %dma_start3A_21 = arith.constant 0 : i32
    %dma_start3A_22 = tpu.memref_slice %arg4[%add3A, %dma_start3A_20, %dma_start3A_21] : memref<32x80x125xi32, #tpu.memory_space<hbm>> -> memref<1x80x125xi32, #tpu.memory_space<hbm>>
    %dma_start3A_23 = tpu.memref_squeeze %dma_start3A_22 : memref<1x80x125xi32, #tpu.memory_space<hbm>> -> memref<80x125xi32, #tpu.memory_space<hbm>>
    tpu.enqueue_dma source(%dma_start3A_23 : memref<80x125xi32, #tpu.memory_space<hbm>>) target(%arg8 : memref<80x125xi32, #tpu.memory_space<vmem>>) target_semaphore(%arg15 : memref<!tpu.dma_semaphore, #tpu.memory_space<semaphore_mem>>)
    %dma_wait3A = arith.constant 0 : i32
    %dma_wait3A_24 = arith.constant 0 : i32
    %dma_wait3A_25 = tpu.memref_slice %arg3[%add3A, %dma_wait3A, %dma_wait3A_24] : memref<32x80x125xi32, #tpu.memory_space<hbm>> -> memref<1x80x125xi32, #tpu.memory_space<hbm>>
    %dma_wait3A_26 = tpu.memref_squeeze %dma_wait3A_25 : memref<1x80x125xi32, #tpu.memory_space<hbm>> -> memref<80x125xi32, #tpu.memory_space<hbm>>
    %dma_wait3A_27 = arith.constant 0 : i32
    %dma_wait3A_28 = arith.constant 0 : i32
    %dma_wait3A_29 = tpu.memref_slice %arg3[%add3A, %dma_wait3A_27, %dma_wait3A_28] : memref<32x80x125xi32, #tpu.memory_space<hbm>> -> memref<1x80x125xi32, #tpu.memory_space<hbm>>
    %dma_wait3A_30 = tpu.memref_squeeze %dma_wait3A_29 : memref<1x80x125xi32, #tpu.memory_space<hbm>> -> memref<80x125xi32, #tpu.memory_space<hbm>>
    tpu.wait_dma2 semaphore(%arg14 : memref<!tpu.dma_semaphore, #tpu.memory_space<semaphore_mem>>) src(%dma_wait3A_30 : memref<80x125xi32, #tpu.memory_space<hbm>>) dst(%arg7 : memref<80x125xi32, #tpu.memory_space<vmem>>)
    %dma_wait3A_31 = arith.constant 0 : i32
    %dma_wait3A_32 = arith.constant 0 : i32
    %dma_wait3A_33 = tpu.memref_slice %arg4[%add3A, %dma_wait3A_31, %dma_wait3A_32] : memref<32x80x125xi32, #tpu.memory_space<hbm>> -> memref<1x80x125xi32, #tpu.memory_space<hbm>>
    %dma_wait3A_34 = tpu.memref_squeeze %dma_wait3A_33 : memref<1x80x125xi32, #tpu.memory_space<hbm>> -> memref<80x125xi32, #tpu.memory_space<hbm>>
    %dma_wait3A_35 = arith.constant 0 : i32
    %dma_wait3A_36 = arith.constant 0 : i32
    %dma_wait3A_37 = tpu.memref_slice %arg4[%add3A, %dma_wait3A_35, %dma_wait3A_36] : memref<32x80x125xi32, #tpu.memory_space<hbm>> -> memref<1x80x125xi32, #tpu.memory_space<hbm>>
    %dma_wait3A_38 = tpu.memref_squeeze %dma_wait3A_37 : memref<1x80x125xi32, #tpu.memory_space<hbm>> -> memref<80x125xi32, #tpu.memory_space<hbm>>
    tpu.wait_dma2 semaphore(%arg15 : memref<!tpu.dma_semaphore, #tpu.memory_space<semaphore_mem>>) src(%dma_wait3A_38 : memref<80x125xi32, #tpu.memory_space<hbm>>) dst(%arg8 : memref<80x125xi32, #tpu.memory_space<vmem>>)
    %dma_start3A_39 = arith.constant 0 : i32
    %dma_start3A_40 = arith.constant 0 : i32
    %dma_start3A_41 = tpu.memref_slice %arg7[%dma_start3A_39, %dma_start3A_40] : memref<80x125xi32, #tpu.memory_space<vmem>> -> memref<1x125xi32, #tpu.memory_space<vmem>>
    %dma_start3A_42 = tpu.memref_squeeze %dma_start3A_41 : memref<1x125xi32, #tpu.memory_space<vmem>> -> memref<125xi32, #tpu.memory_space<vmem>>
    %dma_start3A_43 = arith.constant 0 : i32
    %dma_start3A_44 = arith.constant 0 : i32
    %dma_start3A_45 = tpu.memref_slice %arg2[%dma_start3A_43, %dma_start3A_44] : memref<10000x64xf32, #tpu.memory_space<hbm>> -> memref<10000x64xf32, #tpu.memory_space<hbm>>
    tpu.enqueue_indirect_dma source(%dma_start3A_45 : memref<10000x64xf32, #tpu.memory_space<hbm>>) target(%arg9 : memref<125x64xf32, #tpu.memory_space<vmem>>) offsets(%dma_start3A_42 : memref<125xi32, #tpu.memory_space<vmem>>) semaphore(%arg14 : memref<!tpu.dma_semaphore, #tpu.memory_space<semaphore_mem>>)
    %dma_start3A_46 = arith.constant 1 : i32
    %dma_start3A_47 = arith.constant 0 : i32
    %dma_start3A_48 = tpu.memref_slice %arg7[%dma_start3A_46, %dma_start3A_47] : memref<80x125xi32, #tpu.memory_space<vmem>> -> memref<1x125xi32, #tpu.memory_space<vmem>>
    %dma_start3A_49 = tpu.memref_squeeze %dma_start3A_48 : memref<1x125xi32, #tpu.memory_space<vmem>> -> memref<125xi32, #tpu.memory_space<vmem>>
    %dma_start3A_50 = arith.constant 0 : i32
    %dma_start3A_51 = arith.constant 0 : i32
    %dma_start3A_52 = tpu.memref_slice %arg2[%dma_start3A_50, %dma_start3A_51] : memref<10000x64xf32, #tpu.memory_space<hbm>> -> memref<10000x64xf32, #tpu.memory_space<hbm>>
    tpu.enqueue_indirect_dma source(%dma_start3A_52 : memref<10000x64xf32, #tpu.memory_space<hbm>>) target(%arg10 : memref<125x64xf32, #tpu.memory_space<vmem>>) offsets(%dma_start3A_49 : memref<125xi32, #tpu.memory_space<vmem>>) semaphore(%arg15 : memref<!tpu.dma_semaphore, #tpu.memory_space<semaphore_mem>>)
    %dma_start3A_53 = arith.constant 2 : i32
    %dma_start3A_54 = arith.constant 0 : i32
    %dma_start3A_55 = tpu.memref_slice %arg7[%dma_start3A_53, %dma_start3A_54] : memref<80x125xi32, #tpu.memory_space<vmem>> -> memref<1x125xi32, #tpu.memory_space<vmem>>
    %dma_start3A_56 = tpu.memref_squeeze %dma_start3A_55 : memref<1x125xi32, #tpu.memory_space<vmem>> -> memref<125xi32, #tpu.memory_space<vmem>>
    %dma_start3A_57 = arith.constant 0 : i32
    %dma_start3A_58 = arith.constant 0 : i32
    %dma_start3A_59 = tpu.memref_slice %arg2[%dma_start3A_57, %dma_start3A_58] : memref<10000x64xf32, #tpu.memory_space<hbm>> -> memref<10000x64xf32, #tpu.memory_space<hbm>>
    tpu.enqueue_indirect_dma source(%dma_start3A_59 : memref<10000x64xf32, #tpu.memory_space<hbm>>) target(%arg11 : memref<125x64xf32, #tpu.memory_space<vmem>>) offsets(%dma_start3A_56 : memref<125xi32, #tpu.memory_space<vmem>>) semaphore(%arg16 : memref<!tpu.dma_semaphore, #tpu.memory_space<semaphore_mem>>)
    %dma_start3A_60 = arith.constant 3 : i32
    %dma_start3A_61 = arith.constant 0 : i32
    %dma_start3A_62 = tpu.memref_slice %arg7[%dma_start3A_60, %dma_start3A_61] : memref<80x125xi32, #tpu.memory_space<vmem>> -> memref<1x125xi32, #tpu.memory_space<vmem>>
    %dma_start3A_63 = tpu.memref_squeeze %dma_start3A_62 : memref<1x125xi32, #tpu.memory_space<vmem>> -> memref<125xi32, #tpu.memory_space<vmem>>
    %dma_start3A_64 = arith.constant 0 : i32
    %dma_start3A_65 = arith.constant 0 : i32
    %dma_start3A_66 = tpu.memref_slice %arg2[%dma_start3A_64, %dma_start3A_65] : memref<10000x64xf32, #tpu.memory_space<hbm>> -> memref<10000x64xf32, #tpu.memory_space<hbm>>
    tpu.enqueue_indirect_dma source(%dma_start3A_66 : memref<10000x64xf32, #tpu.memory_space<hbm>>) target(%arg12 : memref<125x64xf32, #tpu.memory_space<vmem>>) offsets(%dma_start3A_63 : memref<125xi32, #tpu.memory_space<vmem>>) semaphore(%arg17 : memref<!tpu.dma_semaphore, #tpu.memory_space<semaphore_mem>>)
    %dma_wait3A_67 = arith.constant 0 : i32
    %dma_wait3A_68 = tpu.memref_slice %arg13[%mul3A_4, %dma_wait3A_67] : memref<10000x64xf32, #tpu.memory_space<vmem_shared>> -> memref<625x64xf32, #tpu.memory_space<vmem_shared>>
    %dma_wait3A_69 = arith.constant 0 : i32
    %dma_wait3A_70 = tpu.memref_slice %arg5[%mul3A_2, %dma_wait3A_69] : memref<10000x64xf32, #tpu.memory_space<hbm>> -> memref<625x64xf32, #tpu.memory_space<hbm>>
    tpu.wait_dma2 semaphore(%arg18 : memref<!tpu.dma_semaphore, #tpu.memory_space<semaphore_mem>>) src(%dma_wait3A_70 : memref<625x64xf32, #tpu.memory_space<hbm>>) dst(%dma_wait3A_68 : memref<625x64xf32, #tpu.memory_space<vmem_shared>>)
    %barrier3A = arith.constant 0 : index
    tpu.barrier barrier_id(%barrier3A)
    %scan3A = arith.constant 0 : i32
    %scan3A_71 = arith.constant 0 : i32
    %scan3A_72 = arith.constant 19 : i32
    %scan3A_73 = arith.addi %scan3A_71, %scan3A_72 : i32
    %scan3A_74 = arith.constant 1 : i32
    scf.for %scan3A_112 = %scan3A_71 to %scan3A_73 step %scan3A_74  : i32 {
      %mul3A_113 = arith.constant 4 : i32
      %mul3A_114 = arith.muli %mul3A_113, %scan3A_112 : i32
      %add3A_115 = arith.constant 0 : i32
      %add3A_116 = arith.addi %mul3A_114, %add3A_115 : i32
      %dma_wait3A_117 = arith.constant 0 : i32
      %dma_wait3A_118 = tpu.memref_slice %arg7[%add3A_116, %dma_wait3A_117] : memref<80x125xi32, #tpu.memory_space<vmem>> -> memref<1x125xi32, #tpu.memory_space<vmem>>
      %dma_wait3A_119 = tpu.memref_squeeze %dma_wait3A_118 : memref<1x125xi32, #tpu.memory_space<vmem>> -> memref<125xi32, #tpu.memory_space<vmem>>
      %dma_wait3A_120 = arith.constant 0 : i32
      %dma_wait3A_121 = arith.constant 0 : i32
      %dma_wait3A_122 = tpu.memref_slice %arg2[%dma_wait3A_120, %dma_wait3A_121] : memref<10000x64xf32, #tpu.memory_space<hbm>> -> memref<10000x64xf32, #tpu.memory_space<hbm>>
      tpu.wait_indirect_dma semaphore(%arg14 : memref<!tpu.dma_semaphore, #tpu.memory_space<semaphore_mem>>) src(%dma_wait3A_122 : memref<10000x64xf32, #tpu.memory_space<hbm>>) dst(%arg9 : memref<125x64xf32, #tpu.memory_space<vmem>>)
      "tpu.region"() ({
        %run_scoped3A_187 = tpu.sem_alloc : memref<!tpu.dma_semaphore, #tpu.memory_space<semaphore_mem>>
        %dma_start3A_188 = arith.constant 0 : i32
        %dma_start3A_189 = tpu.memref_slice %arg8[%add3A_116, %dma_start3A_188] : memref<80x125xi32, #tpu.memory_space<vmem>> -> memref<1x125xi32, #tpu.memory_space<vmem>>
        %dma_start3A_190 = tpu.memref_squeeze %dma_start3A_189 : memref<1x125xi32, #tpu.memory_space<vmem>> -> memref<125xi32, #tpu.memory_space<vmem>>
        %dma_start3A_191 = arith.constant 0 : i32
        %dma_start3A_192 = arith.constant 0 : i32
        %dma_start3A_193 = tpu.memref_slice %arg13[%dma_start3A_191, %dma_start3A_192] : memref<10000x64xf32, #tpu.memory_space<vmem_shared>> -> memref<10000x64xf32, #tpu.memory_space<vmem_shared>>
        tpu.enqueue_indirect_dma source(%arg9 : memref<125x64xf32, #tpu.memory_space<vmem>>) target(%dma_start3A_193 : memref<10000x64xf32, #tpu.memory_space<vmem_shared>>) offsets(%dma_start3A_190 : memref<125xi32, #tpu.memory_space<vmem>>) semaphore(%run_scoped3A_187 : memref<!tpu.dma_semaphore, #tpu.memory_space<semaphore_mem>>) {add = true}
        %dma_wait3A_194 = arith.constant 0 : i32
        %dma_wait3A_195 = tpu.memref_slice %arg8[%add3A_116, %dma_wait3A_194] : memref<80x125xi32, #tpu.memory_space<vmem>> -> memref<1x125xi32, #tpu.memory_space<vmem>>
        %dma_wait3A_196 = tpu.memref_squeeze %dma_wait3A_195 : memref<1x125xi32, #tpu.memory_space<vmem>> -> memref<125xi32, #tpu.memory_space<vmem>>
        %dma_wait3A_197 = arith.constant 0 : i32
        %dma_wait3A_198 = arith.constant 0 : i32
        %dma_wait3A_199 = tpu.memref_slice %arg13[%dma_wait3A_197, %dma_wait3A_198] : memref<10000x64xf32, #tpu.memory_space<vmem_shared>> -> memref<10000x64xf32, #tpu.memory_space<vmem_shared>>
        tpu.wait_indirect_dma semaphore(%run_scoped3A_187 : memref<!tpu.dma_semaphore, #tpu.memory_space<semaphore_mem>>) src(%arg9 : memref<125x64xf32, #tpu.memory_space<vmem>>) dst(%dma_wait3A_199 : memref<10000x64xf32, #tpu.memory_space<vmem_shared>>)
        tpu.yield
      }) : () -> ()
      %add3A_123 = arith.constant 0 : i32
      %add3A_124 = arith.addi %mul3A_114, %add3A_123 : i32
      %add3A_125 = arith.constant 4 : i32
      %add3A_126 = arith.addi %add3A_124, %add3A_125 : i32
      %dma_start3A_127 = arith.constant 0 : i32
      %dma_start3A_128 = tpu.memref_slice %arg7[%add3A_126, %dma_start3A_127] : memref<80x125xi32, #tpu.memory_space<vmem>> -> memref<1x125xi32, #tpu.memory_space<vmem>>
      %dma_start3A_129 = tpu.memref_squeeze %dma_start3A_128 : memref<1x125xi32, #tpu.memory_space<vmem>> -> memref<125xi32, #tpu.memory_space<vmem>>
      %dma_start3A_130 = arith.constant 0 : i32
      %dma_start3A_131 = arith.constant 0 : i32
      %dma_start3A_132 = tpu.memref_slice %arg2[%dma_start3A_130, %dma_start3A_131] : memref<10000x64xf32, #tpu.memory_space<hbm>> -> memref<10000x64xf32, #tpu.memory_space<hbm>>
      tpu.enqueue_indirect_dma source(%dma_start3A_132 : memref<10000x64xf32, #tpu.memory_space<hbm>>) target(%arg9 : memref<125x64xf32, #tpu.memory_space<vmem>>) offsets(%dma_start3A_129 : memref<125xi32, #tpu.memory_space<vmem>>) semaphore(%arg14 : memref<!tpu.dma_semaphore, #tpu.memory_space<semaphore_mem>>)
      %add3A_133 = arith.constant 1 : i32
      %add3A_134 = arith.addi %mul3A_114, %add3A_133 : i32
      %dma_wait3A_135 = arith.constant 0 : i32
      %dma_wait3A_136 = tpu.memref_slice %arg7[%add3A_134, %dma_wait3A_135] : memref<80x125xi32, #tpu.memory_space<vmem>> -> memref<1x125xi32, #tpu.memory_space<vmem>>
      %dma_wait3A_137 = tpu.memref_squeeze %dma_wait3A_136 : memref<1x125xi32, #tpu.memory_space<vmem>> -> memref<125xi32, #tpu.memory_space<vmem>>
      %dma_wait3A_138 = arith.constant 0 : i32
      %dma_wait3A_139 = arith.constant 0 : i32
      %dma_wait3A_140 = tpu.memref_slice %arg2[%dma_wait3A_138, %dma_wait3A_139] : memref<10000x64xf32, #tpu.memory_space<hbm>> -> memref<10000x64xf32, #tpu.memory_space<hbm>>
      tpu.wait_indirect_dma semaphore(%arg15 : memref<!tpu.dma_semaphore, #tpu.memory_space<semaphore_mem>>) src(%dma_wait3A_140 : memref<10000x64xf32, #tpu.memory_space<hbm>>) dst(%arg10 : memref<125x64xf32, #tpu.memory_space<vmem>>)
      "tpu.region"() ({
        %run_scoped3A_187 = tpu.sem_alloc : memref<!tpu.dma_semaphore, #tpu.memory_space<semaphore_mem>>
        %dma_start3A_188 = arith.constant 0 : i32
        %dma_start3A_189 = tpu.memref_slice %arg8[%add3A_134, %dma_start3A_188] : memref<80x125xi32, #tpu.memory_space<vmem>> -> memref<1x125xi32, #tpu.memory_space<vmem>>
        %dma_start3A_190 = tpu.memref_squeeze %dma_start3A_189 : memref<1x125xi32, #tpu.memory_space<vmem>> -> memref<125xi32, #tpu.memory_space<vmem>>
        %dma_start3A_191 = arith.constant 0 : i32
        %dma_start3A_192 = arith.constant 0 : i32
        %dma_start3A_193 = tpu.memref_slice %arg13[%dma_start3A_191, %dma_start3A_192] : memref<10000x64xf32, #tpu.memory_space<vmem_shared>> -> memref<10000x64xf32, #tpu.memory_space<vmem_shared>>
        tpu.enqueue_indirect_dma source(%arg10 : memref<125x64xf32, #tpu.memory_space<vmem>>) target(%dma_start3A_193 : memref<10000x64xf32, #tpu.memory_space<vmem_shared>>) offsets(%dma_start3A_190 : memref<125xi32, #tpu.memory_space<vmem>>) semaphore(%run_scoped3A_187 : memref<!tpu.dma_semaphore, #tpu.memory_space<semaphore_mem>>) {add = true}
        %dma_wait3A_194 = arith.constant 0 : i32
        %dma_wait3A_195 = tpu.memref_slice %arg8[%add3A_134, %dma_wait3A_194] : memref<80x125xi32, #tpu.memory_space<vmem>> -> memref<1x125xi32, #tpu.memory_space<vmem>>
        %dma_wait3A_196 = tpu.memref_squeeze %dma_wait3A_195 : memref<1x125xi32, #tpu.memory_space<vmem>> -> memref<125xi32, #tpu.memory_space<vmem>>
        %dma_wait3A_197 = arith.constant 0 : i32
        %dma_wait3A_198 = arith.constant 0 : i32
        %dma_wait3A_199 = tpu.memref_slice %arg13[%dma_wait3A_197, %dma_wait3A_198] : memref<10000x64xf32, #tpu.memory_space<vmem_shared>> -> memref<10000x64xf32, #tpu.memory_space<vmem_shared>>
        tpu.wait_indirect_dma semaphore(%run_scoped3A_187 : memref<!tpu.dma_semaphore, #tpu.memory_space<semaphore_mem>>) src(%arg10 : memref<125x64xf32, #tpu.memory_space<vmem>>) dst(%dma_wait3A_199 : memref<10000x64xf32, #tpu.memory_space<vmem_shared>>)
        tpu.yield
      }) : () -> ()
      %add3A_141 = arith.constant 1 : i32
      %add3A_142 = arith.addi %mul3A_114, %add3A_141 : i32
      %add3A_143 = arith.constant 4 : i32
      %add3A_144 = arith.addi %add3A_142, %add3A_143 : i32
      %dma_start3A_145 = arith.constant 0 : i32
      %dma_start3A_146 = tpu.memref_slice %arg7[%add3A_144, %dma_start3A_145] : memref<80x125xi32, #tpu.memory_space<vmem>> -> memref<1x125xi32, #tpu.memory_space<vmem>>
      %dma_start3A_147 = tpu.memref_squeeze %dma_start3A_146 : memref<1x125xi32, #tpu.memory_space<vmem>> -> memref<125xi32, #tpu.memory_space<vmem>>
      %dma_start3A_148 = arith.constant 0 : i32
      %dma_start3A_149 = arith.constant 0 : i32
      %dma_start3A_150 = tpu.memref_slice %arg2[%dma_start3A_148, %dma_start3A_149] : memref<10000x64xf32, #tpu.memory_space<hbm>> -> memref<10000x64xf32, #tpu.memory_space<hbm>>
      tpu.enqueue_indirect_dma source(%dma_start3A_150 : memref<10000x64xf32, #tpu.memory_space<hbm>>) target(%arg10 : memref<125x64xf32, #tpu.memory_space<vmem>>) offsets(%dma_start3A_147 : memref<125xi32, #tpu.memory_space<vmem>>) semaphore(%arg15 : memref<!tpu.dma_semaphore, #tpu.memory_space<semaphore_mem>>)
      %add3A_151 = arith.constant 2 : i32
      %add3A_152 = arith.addi %mul3A_114, %add3A_151 : i32
      %dma_wait3A_153 = arith.constant 0 : i32
      %dma_wait3A_154 = tpu.memref_slice %arg7[%add3A_152, %dma_wait3A_153] : memref<80x125xi32, #tpu.memory_space<vmem>> -> memref<1x125xi32, #tpu.memory_space<vmem>>
      %dma_wait3A_155 = tpu.memref_squeeze %dma_wait3A_154 : memref<1x125xi32, #tpu.memory_space<vmem>> -> memref<125xi32, #tpu.memory_space<vmem>>
      %dma_wait3A_156 = arith.constant 0 : i32
      %dma_wait3A_157 = arith.constant 0 : i32
      %dma_wait3A_158 = tpu.memref_slice %arg2[%dma_wait3A_156, %dma_wait3A_157] : memref<10000x64xf32, #tpu.memory_space<hbm>> -> memref<10000x64xf32, #tpu.memory_space<hbm>>
      tpu.wait_indirect_dma semaphore(%arg16 : memref<!tpu.dma_semaphore, #tpu.memory_space<semaphore_mem>>) src(%dma_wait3A_158 : memref<10000x64xf32, #tpu.memory_space<hbm>>) dst(%arg11 : memref<125x64xf32, #tpu.memory_space<vmem>>)
      "tpu.region"() ({
        %run_scoped3A_187 = tpu.sem_alloc : memref<!tpu.dma_semaphore, #tpu.memory_space<semaphore_mem>>
        %dma_start3A_188 = arith.constant 0 : i32
        %dma_start3A_189 = tpu.memref_slice %arg8[%add3A_152, %dma_start3A_188] : memref<80x125xi32, #tpu.memory_space<vmem>> -> memref<1x125xi32, #tpu.memory_space<vmem>>
        %dma_start3A_190 = tpu.memref_squeeze %dma_start3A_189 : memref<1x125xi32, #tpu.memory_space<vmem>> -> memref<125xi32, #tpu.memory_space<vmem>>
        %dma_start3A_191 = arith.constant 0 : i32
        %dma_start3A_192 = arith.constant 0 : i32
        %dma_start3A_193 = tpu.memref_slice %arg13[%dma_start3A_191, %dma_start3A_192] : memref<10000x64xf32, #tpu.memory_space<vmem_shared>> -> memref<10000x64xf32, #tpu.memory_space<vmem_shared>>
        tpu.enqueue_indirect_dma source(%arg11 : memref<125x64xf32, #tpu.memory_space<vmem>>) target(%dma_start3A_193 : memref<10000x64xf32, #tpu.memory_space<vmem_shared>>) offsets(%dma_start3A_190 : memref<125xi32, #tpu.memory_space<vmem>>) semaphore(%run_scoped3A_187 : memref<!tpu.dma_semaphore, #tpu.memory_space<semaphore_mem>>) {add = true}
        %dma_wait3A_194 = arith.constant 0 : i32
        %dma_wait3A_195 = tpu.memref_slice %arg8[%add3A_152, %dma_wait3A_194] : memref<80x125xi32, #tpu.memory_space<vmem>> -> memref<1x125xi32, #tpu.memory_space<vmem>>
        %dma_wait3A_196 = tpu.memref_squeeze %dma_wait3A_195 : memref<1x125xi32, #tpu.memory_space<vmem>> -> memref<125xi32, #tpu.memory_space<vmem>>
        %dma_wait3A_197 = arith.constant 0 : i32
        %dma_wait3A_198 = arith.constant 0 : i32
        %dma_wait3A_199 = tpu.memref_slice %arg13[%dma_wait3A_197, %dma_wait3A_198] : memref<10000x64xf32, #tpu.memory_space<vmem_shared>> -> memref<10000x64xf32, #tpu.memory_space<vmem_shared>>
        tpu.wait_indirect_dma semaphore(%run_scoped3A_187 : memref<!tpu.dma_semaphore, #tpu.memory_space<semaphore_mem>>) src(%arg11 : memref<125x64xf32, #tpu.memory_space<vmem>>) dst(%dma_wait3A_199 : memref<10000x64xf32, #tpu.memory_space<vmem_shared>>)
        tpu.yield
      }) : () -> ()
      %add3A_159 = arith.constant 2 : i32
      %add3A_160 = arith.addi %mul3A_114, %add3A_159 : i32
      %add3A_161 = arith.constant 4 : i32
      %add3A_162 = arith.addi %add3A_160, %add3A_161 : i32
      %dma_start3A_163 = arith.constant 0 : i32
      %dma_start3A_164 = tpu.memref_slice %arg7[%add3A_162, %dma_start3A_163] : memref<80x125xi32, #tpu.memory_space<vmem>> -> memref<1x125xi32, #tpu.memory_space<vmem>>
      %dma_start3A_165 = tpu.memref_squeeze %dma_start3A_164 : memref<1x125xi32, #tpu.memory_space<vmem>> -> memref<125xi32, #tpu.memory_space<vmem>>
      %dma_start3A_166 = arith.constant 0 : i32
      %dma_start3A_167 = arith.constant 0 : i32
      %dma_start3A_168 = tpu.memref_slice %arg2[%dma_start3A_166, %dma_start3A_167] : memref<10000x64xf32, #tpu.memory_space<hbm>> -> memref<10000x64xf32, #tpu.memory_space<hbm>>
      tpu.enqueue_indirect_dma source(%dma_start3A_168 : memref<10000x64xf32, #tpu.memory_space<hbm>>) target(%arg11 : memref<125x64xf32, #tpu.memory_space<vmem>>) offsets(%dma_start3A_165 : memref<125xi32, #tpu.memory_space<vmem>>) semaphore(%arg16 : memref<!tpu.dma_semaphore, #tpu.memory_space<semaphore_mem>>)
      %add3A_169 = arith.constant 3 : i32
      %add3A_170 = arith.addi %mul3A_114, %add3A_169 : i32
      %dma_wait3A_171 = arith.constant 0 : i32
      %dma_wait3A_172 = tpu.memref_slice %arg7[%add3A_170, %dma_wait3A_171] : memref<80x125xi32, #tpu.memory_space<vmem>> -> memref<1x125xi32, #tpu.memory_space<vmem>>
      %dma_wait3A_173 = tpu.memref_squeeze %dma_wait3A_172 : memref<1x125xi32, #tpu.memory_space<vmem>> -> memref<125xi32, #tpu.memory_space<vmem>>
      %dma_wait3A_174 = arith.constant 0 : i32
      %dma_wait3A_175 = arith.constant 0 : i32
      %dma_wait3A_176 = tpu.memref_slice %arg2[%dma_wait3A_174, %dma_wait3A_175] : memref<10000x64xf32, #tpu.memory_space<hbm>> -> memref<10000x64xf32, #tpu.memory_space<hbm>>
      tpu.wait_indirect_dma semaphore(%arg17 : memref<!tpu.dma_semaphore, #tpu.memory_space<semaphore_mem>>) src(%dma_wait3A_176 : memref<10000x64xf32, #tpu.memory_space<hbm>>) dst(%arg12 : memref<125x64xf32, #tpu.memory_space<vmem>>)
      "tpu.region"() ({
        %run_scoped3A_187 = tpu.sem_alloc : memref<!tpu.dma_semaphore, #tpu.memory_space<semaphore_mem>>
        %dma_start3A_188 = arith.constant 0 : i32
        %dma_start3A_189 = tpu.memref_slice %arg8[%add3A_170, %dma_start3A_188] : memref<80x125xi32, #tpu.memory_space<vmem>> -> memref<1x125xi32, #tpu.memory_space<vmem>>
        %dma_start3A_190 = tpu.memref_squeeze %dma_start3A_189 : memref<1x125xi32, #tpu.memory_space<vmem>> -> memref<125xi32, #tpu.memory_space<vmem>>
        %dma_start3A_191 = arith.constant 0 : i32
        %dma_start3A_192 = arith.constant 0 : i32
        %dma_start3A_193 = tpu.memref_slice %arg13[%dma_start3A_191, %dma_start3A_192] : memref<10000x64xf32, #tpu.memory_space<vmem_shared>> -> memref<10000x64xf32, #tpu.memory_space<vmem_shared>>
        tpu.enqueue_indirect_dma source(%arg12 : memref<125x64xf32, #tpu.memory_space<vmem>>) target(%dma_start3A_193 : memref<10000x64xf32, #tpu.memory_space<vmem_shared>>) offsets(%dma_start3A_190 : memref<125xi32, #tpu.memory_space<vmem>>) semaphore(%run_scoped3A_187 : memref<!tpu.dma_semaphore, #tpu.memory_space<semaphore_mem>>) {add = true}
        %dma_wait3A_194 = arith.constant 0 : i32
        %dma_wait3A_195 = tpu.memref_slice %arg8[%add3A_170, %dma_wait3A_194] : memref<80x125xi32, #tpu.memory_space<vmem>> -> memref<1x125xi32, #tpu.memory_space<vmem>>
        %dma_wait3A_196 = tpu.memref_squeeze %dma_wait3A_195 : memref<1x125xi32, #tpu.memory_space<vmem>> -> memref<125xi32, #tpu.memory_space<vmem>>
        %dma_wait3A_197 = arith.constant 0 : i32
        %dma_wait3A_198 = arith.constant 0 : i32
        %dma_wait3A_199 = tpu.memref_slice %arg13[%dma_wait3A_197, %dma_wait3A_198] : memref<10000x64xf32, #tpu.memory_space<vmem_shared>> -> memref<10000x64xf32, #tpu.memory_space<vmem_shared>>
        tpu.wait_indirect_dma semaphore(%run_scoped3A_187 : memref<!tpu.dma_semaphore, #tpu.memory_space<semaphore_mem>>) src(%arg12 : memref<125x64xf32, #tpu.memory_space<vmem>>) dst(%dma_wait3A_199 : memref<10000x64xf32, #tpu.memory_space<vmem_shared>>)
        tpu.yield
      }) : () -> ()
      %add3A_177 = arith.constant 3 : i32
      %add3A_178 = arith.addi %mul3A_114, %add3A_177 : i32
      %add3A_179 = arith.constant 4 : i32
      %add3A_180 = arith.addi %add3A_178, %add3A_179 : i32
      %dma_start3A_181 = arith.constant 0 : i32
      %dma_start3A_182 = tpu.memref_slice %arg7[%add3A_180, %dma_start3A_181] : memref<80x125xi32, #tpu.memory_space<vmem>> -> memref<1x125xi32, #tpu.memory_space<vmem>>
      %dma_start3A_183 = tpu.memref_squeeze %dma_start3A_182 : memref<1x125xi32, #tpu.memory_space<vmem>> -> memref<125xi32, #tpu.memory_space<vmem>>
      %dma_start3A_184 = arith.constant 0 : i32
      %dma_start3A_185 = arith.constant 0 : i32
      %dma_start3A_186 = tpu.memref_slice %arg2[%dma_start3A_184, %dma_start3A_185] : memref<10000x64xf32, #tpu.memory_space<hbm>> -> memref<10000x64xf32, #tpu.memory_space<hbm>>
      tpu.enqueue_indirect_dma source(%dma_start3A_186 : memref<10000x64xf32, #tpu.memory_space<hbm>>) target(%arg12 : memref<125x64xf32, #tpu.memory_space<vmem>>) offsets(%dma_start3A_183 : memref<125xi32, #tpu.memory_space<vmem>>) semaphore(%arg17 : memref<!tpu.dma_semaphore, #tpu.memory_space<semaphore_mem>>)
    }
    %scan3A_75 = arith.constant 19 : i32
    %dma_wait3A_76 = arith.constant 76 : i32
    %dma_wait3A_77 = arith.constant 0 : i32
    %dma_wait3A_78 = tpu.memref_slice %arg7[%dma_wait3A_76, %dma_wait3A_77] : memref<80x125xi32, #tpu.memory_space<vmem>> -> memref<1x125xi32, #tpu.memory_space<vmem>>
    %dma_wait3A_79 = tpu.memref_squeeze %dma_wait3A_78 : memref<1x125xi32, #tpu.memory_space<vmem>> -> memref<125xi32, #tpu.memory_space<vmem>>
    %dma_wait3A_80 = arith.constant 0 : i32
    %dma_wait3A_81 = arith.constant 0 : i32
    %dma_wait3A_82 = tpu.memref_slice %arg2[%dma_wait3A_80, %dma_wait3A_81] : memref<10000x64xf32, #tpu.memory_space<hbm>> -> memref<10000x64xf32, #tpu.memory_space<hbm>>
    tpu.wait_indirect_dma semaphore(%arg14 : memref<!tpu.dma_semaphore, #tpu.memory_space<semaphore_mem>>) src(%dma_wait3A_82 : memref<10000x64xf32, #tpu.memory_space<hbm>>) dst(%arg9 : memref<125x64xf32, #tpu.memory_space<vmem>>)
    %run_scoped3A = arith.constant 76 : i32
    "tpu.region"() ({
      %run_scoped3A_112 = tpu.sem_alloc : memref<!tpu.dma_semaphore, #tpu.memory_space<semaphore_mem>>
      %dma_start3A_113 = arith.constant 0 : i32
      %dma_start3A_114 = tpu.memref_slice %arg8[%run_scoped3A, %dma_start3A_113] : memref<80x125xi32, #tpu.memory_space<vmem>> -> memref<1x125xi32, #tpu.memory_space<vmem>>
      %dma_start3A_115 = tpu.memref_squeeze %dma_start3A_114 : memref<1x125xi32, #tpu.memory_space<vmem>> -> memref<125xi32, #tpu.memory_space<vmem>>
      %dma_start3A_116 = arith.constant 0 : i32
      %dma_start3A_117 = arith.constant 0 : i32
      %dma_start3A_118 = tpu.memref_slice %arg13[%dma_start3A_116, %dma_start3A_117] : memref<10000x64xf32, #tpu.memory_space<vmem_shared>> -> memref<10000x64xf32, #tpu.memory_space<vmem_shared>>
      tpu.enqueue_indirect_dma source(%arg9 : memref<125x64xf32, #tpu.memory_space<vmem>>) target(%dma_start3A_118 : memref<10000x64xf32, #tpu.memory_space<vmem_shared>>) offsets(%dma_start3A_115 : memref<125xi32, #tpu.memory_space<vmem>>) semaphore(%run_scoped3A_112 : memref<!tpu.dma_semaphore, #tpu.memory_space<semaphore_mem>>) {add = true}
      %dma_wait3A_119 = arith.constant 0 : i32
      %dma_wait3A_120 = tpu.memref_slice %arg8[%run_scoped3A, %dma_wait3A_119] : memref<80x125xi32, #tpu.memory_space<vmem>> -> memref<1x125xi32, #tpu.memory_space<vmem>>
      %dma_wait3A_121 = tpu.memref_squeeze %dma_wait3A_120 : memref<1x125xi32, #tpu.memory_space<vmem>> -> memref<125xi32, #tpu.memory_space<vmem>>
      %dma_wait3A_122 = arith.constant 0 : i32
      %dma_wait3A_123 = arith.constant 0 : i32
      %dma_wait3A_124 = tpu.memref_slice %arg13[%dma_wait3A_122, %dma_wait3A_123] : memref<10000x64xf32, #tpu.memory_space<vmem_shared>> -> memref<10000x64xf32, #tpu.memory_space<vmem_shared>>
      tpu.wait_indirect_dma semaphore(%run_scoped3A_112 : memref<!tpu.dma_semaphore, #tpu.memory_space<semaphore_mem>>) src(%arg9 : memref<125x64xf32, #tpu.memory_space<vmem>>) dst(%dma_wait3A_124 : memref<10000x64xf32, #tpu.memory_space<vmem_shared>>)
      tpu.yield
    }) : () -> ()
    %dma_wait3A_83 = arith.constant 77 : i32
    %dma_wait3A_84 = arith.constant 0 : i32
    %dma_wait3A_85 = tpu.memref_slice %arg7[%dma_wait3A_83, %dma_wait3A_84] : memref<80x125xi32, #tpu.memory_space<vmem>> -> memref<1x125xi32, #tpu.memory_space<vmem>>
    %dma_wait3A_86 = tpu.memref_squeeze %dma_wait3A_85 : memref<1x125xi32, #tpu.memory_space<vmem>> -> memref<125xi32, #tpu.memory_space<vmem>>
    %dma_wait3A_87 = arith.constant 0 : i32
    %dma_wait3A_88 = arith.constant 0 : i32
    %dma_wait3A_89 = tpu.memref_slice %arg2[%dma_wait3A_87, %dma_wait3A_88] : memref<10000x64xf32, #tpu.memory_space<hbm>> -> memref<10000x64xf32, #tpu.memory_space<hbm>>
    tpu.wait_indirect_dma semaphore(%arg15 : memref<!tpu.dma_semaphore, #tpu.memory_space<semaphore_mem>>) src(%dma_wait3A_89 : memref<10000x64xf32, #tpu.memory_space<hbm>>) dst(%arg10 : memref<125x64xf32, #tpu.memory_space<vmem>>)
    %run_scoped3A_90 = arith.constant 77 : i32
    "tpu.region"() ({
      %run_scoped3A_112 = tpu.sem_alloc : memref<!tpu.dma_semaphore, #tpu.memory_space<semaphore_mem>>
      %dma_start3A_113 = arith.constant 0 : i32
      %dma_start3A_114 = tpu.memref_slice %arg8[%run_scoped3A_90, %dma_start3A_113] : memref<80x125xi32, #tpu.memory_space<vmem>> -> memref<1x125xi32, #tpu.memory_space<vmem>>
      %dma_start3A_115 = tpu.memref_squeeze %dma_start3A_114 : memref<1x125xi32, #tpu.memory_space<vmem>> -> memref<125xi32, #tpu.memory_space<vmem>>
      %dma_start3A_116 = arith.constant 0 : i32
      %dma_start3A_117 = arith.constant 0 : i32
      %dma_start3A_118 = tpu.memref_slice %arg13[%dma_start3A_116, %dma_start3A_117] : memref<10000x64xf32, #tpu.memory_space<vmem_shared>> -> memref<10000x64xf32, #tpu.memory_space<vmem_shared>>
      tpu.enqueue_indirect_dma source(%arg10 : memref<125x64xf32, #tpu.memory_space<vmem>>) target(%dma_start3A_118 : memref<10000x64xf32, #tpu.memory_space<vmem_shared>>) offsets(%dma_start3A_115 : memref<125xi32, #tpu.memory_space<vmem>>) semaphore(%run_scoped3A_112 : memref<!tpu.dma_semaphore, #tpu.memory_space<semaphore_mem>>) {add = true}
      %dma_wait3A_119 = arith.constant 0 : i32
      %dma_wait3A_120 = tpu.memref_slice %arg8[%run_scoped3A_90, %dma_wait3A_119] : memref<80x125xi32, #tpu.memory_space<vmem>> -> memref<1x125xi32, #tpu.memory_space<vmem>>
      %dma_wait3A_121 = tpu.memref_squeeze %dma_wait3A_120 : memref<1x125xi32, #tpu.memory_space<vmem>> -> memref<125xi32, #tpu.memory_space<vmem>>
      %dma_wait3A_122 = arith.constant 0 : i32
      %dma_wait3A_123 = arith.constant 0 : i32
      %dma_wait3A_124 = tpu.memref_slice %arg13[%dma_wait3A_122, %dma_wait3A_123] : memref<10000x64xf32, #tpu.memory_space<vmem_shared>> -> memref<10000x64xf32, #tpu.memory_space<vmem_shared>>
      tpu.wait_indirect_dma semaphore(%run_scoped3A_112 : memref<!tpu.dma_semaphore, #tpu.memory_space<semaphore_mem>>) src(%arg10 : memref<125x64xf32, #tpu.memory_space<vmem>>) dst(%dma_wait3A_124 : memref<10000x64xf32, #tpu.memory_space<vmem_shared>>)
      tpu.yield
    }) : () -> ()
    %dma_wait3A_91 = arith.constant 78 : i32
    %dma_wait3A_92 = arith.constant 0 : i32
    %dma_wait3A_93 = tpu.memref_slice %arg7[%dma_wait3A_91, %dma_wait3A_92] : memref<80x125xi32, #tpu.memory_space<vmem>> -> memref<1x125xi32, #tpu.memory_space<vmem>>
    %dma_wait3A_94 = tpu.memref_squeeze %dma_wait3A_93 : memref<1x125xi32, #tpu.memory_space<vmem>> -> memref<125xi32, #tpu.memory_space<vmem>>
    %dma_wait3A_95 = arith.constant 0 : i32
    %dma_wait3A_96 = arith.constant 0 : i32
    %dma_wait3A_97 = tpu.memref_slice %arg2[%dma_wait3A_95, %dma_wait3A_96] : memref<10000x64xf32, #tpu.memory_space<hbm>> -> memref<10000x64xf32, #tpu.memory_space<hbm>>
    tpu.wait_indirect_dma semaphore(%arg16 : memref<!tpu.dma_semaphore, #tpu.memory_space<semaphore_mem>>) src(%dma_wait3A_97 : memref<10000x64xf32, #tpu.memory_space<hbm>>) dst(%arg11 : memref<125x64xf32, #tpu.memory_space<vmem>>)
    %run_scoped3A_98 = arith.constant 78 : i32
    "tpu.region"() ({
      %run_scoped3A_112 = tpu.sem_alloc : memref<!tpu.dma_semaphore, #tpu.memory_space<semaphore_mem>>
      %dma_start3A_113 = arith.constant 0 : i32
      %dma_start3A_114 = tpu.memref_slice %arg8[%run_scoped3A_98, %dma_start3A_113] : memref<80x125xi32, #tpu.memory_space<vmem>> -> memref<1x125xi32, #tpu.memory_space<vmem>>
      %dma_start3A_115 = tpu.memref_squeeze %dma_start3A_114 : memref<1x125xi32, #tpu.memory_space<vmem>> -> memref<125xi32, #tpu.memory_space<vmem>>
      %dma_start3A_116 = arith.constant 0 : i32
      %dma_start3A_117 = arith.constant 0 : i32
      %dma_start3A_118 = tpu.memref_slice %arg13[%dma_start3A_116, %dma_start3A_117] : memref<10000x64xf32, #tpu.memory_space<vmem_shared>> -> memref<10000x64xf32, #tpu.memory_space<vmem_shared>>
      tpu.enqueue_indirect_dma source(%arg11 : memref<125x64xf32, #tpu.memory_space<vmem>>) target(%dma_start3A_118 : memref<10000x64xf32, #tpu.memory_space<vmem_shared>>) offsets(%dma_start3A_115 : memref<125xi32, #tpu.memory_space<vmem>>) semaphore(%run_scoped3A_112 : memref<!tpu.dma_semaphore, #tpu.memory_space<semaphore_mem>>) {add = true}
      %dma_wait3A_119 = arith.constant 0 : i32
      %dma_wait3A_120 = tpu.memref_slice %arg8[%run_scoped3A_98, %dma_wait3A_119] : memref<80x125xi32, #tpu.memory_space<vmem>> -> memref<1x125xi32, #tpu.memory_space<vmem>>
      %dma_wait3A_121 = tpu.memref_squeeze %dma_wait3A_120 : memref<1x125xi32, #tpu.memory_space<vmem>> -> memref<125xi32, #tpu.memory_space<vmem>>
      %dma_wait3A_122 = arith.constant 0 : i32
      %dma_wait3A_123 = arith.constant 0 : i32
      %dma_wait3A_124 = tpu.memref_slice %arg13[%dma_wait3A_122, %dma_wait3A_123] : memref<10000x64xf32, #tpu.memory_space<vmem_shared>> -> memref<10000x64xf32, #tpu.memory_space<vmem_shared>>
      tpu.wait_indirect_dma semaphore(%run_scoped3A_112 : memref<!tpu.dma_semaphore, #tpu.memory_space<semaphore_mem>>) src(%arg11 : memref<125x64xf32, #tpu.memory_space<vmem>>) dst(%dma_wait3A_124 : memref<10000x64xf32, #tpu.memory_space<vmem_shared>>)
      tpu.yield
    }) : () -> ()
    %dma_wait3A_99 = arith.constant 79 : i32
    %dma_wait3A_100 = arith.constant 0 : i32
    %dma_wait3A_101 = tpu.memref_slice %arg7[%dma_wait3A_99, %dma_wait3A_100] : memref<80x125xi32, #tpu.memory_space<vmem>> -> memref<1x125xi32, #tpu.memory_space<vmem>>
    %dma_wait3A_102 = tpu.memref_squeeze %dma_wait3A_101 : memref<1x125xi32, #tpu.memory_space<vmem>> -> memref<125xi32, #tpu.memory_space<vmem>>
    %dma_wait3A_103 = arith.constant 0 : i32
    %dma_wait3A_104 = arith.constant 0 : i32
    %dma_wait3A_105 = tpu.memref_slice %arg2[%dma_wait3A_103, %dma_wait3A_104] : memref<10000x64xf32, #tpu.memory_space<hbm>> -> memref<10000x64xf32, #tpu.memory_space<hbm>>
    tpu.wait_indirect_dma semaphore(%arg17 : memref<!tpu.dma_semaphore, #tpu.memory_space<semaphore_mem>>) src(%dma_wait3A_105 : memref<10000x64xf32, #tpu.memory_space<hbm>>) dst(%arg12 : memref<125x64xf32, #tpu.memory_space<vmem>>)
    %run_scoped3A_106 = arith.constant 79 : i32
    "tpu.region"() ({
      %run_scoped3A_112 = tpu.sem_alloc : memref<!tpu.dma_semaphore, #tpu.memory_space<semaphore_mem>>
      %dma_start3A_113 = arith.constant 0 : i32
      %dma_start3A_114 = tpu.memref_slice %arg8[%run_scoped3A_106, %dma_start3A_113] : memref<80x125xi32, #tpu.memory_space<vmem>> -> memref<1x125xi32, #tpu.memory_space<vmem>>
      %dma_start3A_115 = tpu.memref_squeeze %dma_start3A_114 : memref<1x125xi32, #tpu.memory_space<vmem>> -> memref<125xi32, #tpu.memory_space<vmem>>
      %dma_start3A_116 = arith.constant 0 : i32
      %dma_start3A_117 = arith.constant 0 : i32
      %dma_start3A_118 = tpu.memref_slice %arg13[%dma_start3A_116, %dma_start3A_117] : memref<10000x64xf32, #tpu.memory_space<vmem_shared>> -> memref<10000x64xf32, #tpu.memory_space<vmem_shared>>
      tpu.enqueue_indirect_dma source(%arg12 : memref<125x64xf32, #tpu.memory_space<vmem>>) target(%dma_start3A_118 : memref<10000x64xf32, #tpu.memory_space<vmem_shared>>) offsets(%dma_start3A_115 : memref<125xi32, #tpu.memory_space<vmem>>) semaphore(%run_scoped3A_112 : memref<!tpu.dma_semaphore, #tpu.memory_space<semaphore_mem>>) {add = true}
      %dma_wait3A_119 = arith.constant 0 : i32
      %dma_wait3A_120 = tpu.memref_slice %arg8[%run_scoped3A_106, %dma_wait3A_119] : memref<80x125xi32, #tpu.memory_space<vmem>> -> memref<1x125xi32, #tpu.memory_space<vmem>>
      %dma_wait3A_121 = tpu.memref_squeeze %dma_wait3A_120 : memref<1x125xi32, #tpu.memory_space<vmem>> -> memref<125xi32, #tpu.memory_space<vmem>>
      %dma_wait3A_122 = arith.constant 0 : i32
      %dma_wait3A_123 = arith.constant 0 : i32
      %dma_wait3A_124 = tpu.memref_slice %arg13[%dma_wait3A_122, %dma_wait3A_123] : memref<10000x64xf32, #tpu.memory_space<vmem_shared>> -> memref<10000x64xf32, #tpu.memory_space<vmem_shared>>
      tpu.wait_indirect_dma semaphore(%run_scoped3A_112 : memref<!tpu.dma_semaphore, #tpu.memory_space<semaphore_mem>>) src(%arg12 : memref<125x64xf32, #tpu.memory_space<vmem>>) dst(%dma_wait3A_124 : memref<10000x64xf32, #tpu.memory_space<vmem_shared>>)
      tpu.yield
    }) : () -> ()
    %barrier3A_107 = arith.constant 0 : index
    tpu.barrier barrier_id(%barrier3A_107)
    %mul3A_108 = arith.constant 625 : i32
    %mul3A_109 = arith.muli %arg1, %mul3A_108 : i32
    %mul3A_110 = arith.constant 625 : i32
    %mul3A_111 = arith.muli %arg1, %mul3A_110 : i32
    "tpu.region"() ({
      %run_scoped3A_112 = tpu.sem_alloc : memref<!tpu.dma_semaphore, #tpu.memory_space<semaphore_mem>>
      %dma_start3A_113 = arith.constant 0 : i32
      %dma_start3A_114 = tpu.memref_slice %arg6[%arg0, %mul3A_111, %dma_start3A_113] : memref<2x10000x64xf32, #tpu.memory_space<hbm>> -> memref<1x625x64xf32, #tpu.memory_space<hbm>>
      %dma_start3A_115 = tpu.memref_squeeze %dma_start3A_114 : memref<1x625x64xf32, #tpu.memory_space<hbm>> -> memref<625x64xf32, #tpu.memory_space<hbm>>
      %dma_start3A_116 = arith.constant 0 : i32
      %dma_start3A_117 = tpu.memref_slice %arg13[%mul3A_109, %dma_start3A_116] : memref<10000x64xf32, #tpu.memory_space<vmem_shared>> -> memref<625x64xf32, #tpu.memory_space<vmem_shared>>
      tpu.enqueue_dma source(%dma_start3A_117 : memref<625x64xf32, #tpu.memory_space<vmem_shared>>) target(%dma_start3A_115 : memref<625x64xf32, #tpu.memory_space<hbm>>) target_semaphore(%run_scoped3A_112 : memref<!tpu.dma_semaphore, #tpu.memory_space<semaphore_mem>>)
      %dma_wait3A_118 = arith.constant 0 : i32
      %dma_wait3A_119 = tpu.memref_slice %arg6[%arg0, %mul3A_111, %dma_wait3A_118] : memref<2x10000x64xf32, #tpu.memory_space<hbm>> -> memref<1x625x64xf32, #tpu.memory_space<hbm>>
      %dma_wait3A_120 = tpu.memref_squeeze %dma_wait3A_119 : memref<1x625x64xf32, #tpu.memory_space<hbm>> -> memref<625x64xf32, #tpu.memory_space<hbm>>
      %dma_wait3A_121 = arith.constant 0 : i32
      %dma_wait3A_122 = tpu.memref_slice %arg13[%mul3A_109, %dma_wait3A_121] : memref<10000x64xf32, #tpu.memory_space<vmem_shared>> -> memref<625x64xf32, #tpu.memory_space<vmem_shared>>
      tpu.wait_dma2 semaphore(%run_scoped3A_112 : memref<!tpu.dma_semaphore, #tpu.memory_space<semaphore_mem>>) src(%dma_wait3A_122 : memref<625x64xf32, #tpu.memory_space<vmem_shared>>) dst(%dma_wait3A_120 : memref<625x64xf32, #tpu.memory_space<hbm>>)
      tpu.yield
    }) : () -> ()
    return
  }
}

#map = affine_map<(d0, d1) -> (0, 0)>
#map1 = affine_map<(d0, d1) -> (0, 0, 0)>
module attributes {stable_mosaic.version = 14 : i64} {
  func.func @_deg_kernel(%arg0: i32, %arg1: i32, %arg2: memref<32x10000xi32, #tpu.memory_space<hbm>>, %arg3: memref<32x10000xi32, #tpu.memory_space<hbm>>, %arg4: memref<32x2x10000xf32, #tpu.memory_space<hbm>>, %arg5: memref<10000xi32, #tpu.memory_space<vmem>>, %arg6: memref<10000xi32, #tpu.memory_space<vmem>>, %arg7: memref<10000xf32, #tpu.memory_space<vmem>>, %arg8: memref<10000xf32, #tpu.memory_space<vmem>>, %arg9: memref<!tpu.dma_semaphore, #tpu.memory_space<semaphore_mem>>, %arg10: memref<!tpu.dma_semaphore, #tpu.memory_space<semaphore_mem>>) attributes {dimension_semantics = [#tpu.dimension_semantics<core_parallel>, #tpu.dimension_semantics<subcore_parallel>], iteration_bounds = array<i64: 2, 16>, scalar_prefetch = 0 : i64, scratch_operands = 6 : i64, tpu.core_type = #tpu.core_type<sc_vector_subcore>, window_params = [{transform_indices = #map}, {transform_indices = #map}, {transform_indices = #map1}]} {
    %mul3A = arith.constant 2 : i32
    %mul3A_0 = arith.muli %arg1, %mul3A : i32
    %add3A = arith.addi %mul3A_0, %arg0 : i32
    %dma_start3A = arith.constant 0 : i32
    %dma_start3A_1 = tpu.memref_slice %arg2[%add3A, %dma_start3A] : memref<32x10000xi32, #tpu.memory_space<hbm>> -> memref<1x10000xi32, #tpu.memory_space<hbm>>
    %dma_start3A_2 = tpu.memref_squeeze %dma_start3A_1 : memref<1x10000xi32, #tpu.memory_space<hbm>> -> memref<10000xi32, #tpu.memory_space<hbm>>
    %dma_start3A_3 = arith.constant 0 : i32
    %dma_start3A_4 = tpu.memref_slice %arg2[%add3A, %dma_start3A_3] : memref<32x10000xi32, #tpu.memory_space<hbm>> -> memref<1x10000xi32, #tpu.memory_space<hbm>>
    %dma_start3A_5 = tpu.memref_squeeze %dma_start3A_4 : memref<1x10000xi32, #tpu.memory_space<hbm>> -> memref<10000xi32, #tpu.memory_space<hbm>>
    tpu.enqueue_dma source(%dma_start3A_5 : memref<10000xi32, #tpu.memory_space<hbm>>) target(%arg5 : memref<10000xi32, #tpu.memory_space<vmem>>) target_semaphore(%arg9 : memref<!tpu.dma_semaphore, #tpu.memory_space<semaphore_mem>>)
    %dma_start3A_6 = arith.constant 0 : i32
    %dma_start3A_7 = tpu.memref_slice %arg3[%add3A, %dma_start3A_6] : memref<32x10000xi32, #tpu.memory_space<hbm>> -> memref<1x10000xi32, #tpu.memory_space<hbm>>
    %dma_start3A_8 = tpu.memref_squeeze %dma_start3A_7 : memref<1x10000xi32, #tpu.memory_space<hbm>> -> memref<10000xi32, #tpu.memory_space<hbm>>
    %dma_start3A_9 = arith.constant 0 : i32
    %dma_start3A_10 = tpu.memref_slice %arg3[%add3A, %dma_start3A_9] : memref<32x10000xi32, #tpu.memory_space<hbm>> -> memref<1x10000xi32, #tpu.memory_space<hbm>>
    %dma_start3A_11 = tpu.memref_squeeze %dma_start3A_10 : memref<1x10000xi32, #tpu.memory_space<hbm>> -> memref<10000xi32, #tpu.memory_space<hbm>>
    tpu.enqueue_dma source(%dma_start3A_11 : memref<10000xi32, #tpu.memory_space<hbm>>) target(%arg6 : memref<10000xi32, #tpu.memory_space<vmem>>) target_semaphore(%arg10 : memref<!tpu.dma_semaphore, #tpu.memory_space<semaphore_mem>>)
    %broadcast_in_dim3A = arith.constant 0.000000e+00 : f32
    %broadcast_in_dim3A_12 = vector.broadcast %broadcast_in_dim3A : f32 to vector<16xf32>
    %scan3A = arith.constant 0 : i32
    %scan3A_13 = arith.constant 0 : i32
    %scan3A_14 = arith.constant 625 : i32
    %scan3A_15 = arith.addi %scan3A_13, %scan3A_14 : i32
    %scan3A_16 = arith.constant 1 : i32
    scf.for %scan3A_38 = %scan3A_13 to %scan3A_15 step %scan3A_16  : i32 {
      %mul3A_39 = arith.constant 16 : i32
      %mul3A_40 = arith.muli %scan3A_38, %mul3A_39 : i32
      %swap3A = arith.index_cast %mul3A_40 : i32 to index
      %swap3A_41 = tpu.vector_load %arg7[%swap3A] {strides = array<i32>} : memref<10000xf32, #tpu.memory_space<vmem>>, vector<16xf32>,
      tpu.vector_store %arg7[%swap3A], %broadcast_in_dim3A_12 {strides = array<i32>} : memref<10000xf32, #tpu.memory_space<vmem>>, vector<16xf32>,
      %mul3A_42 = arith.constant 16 : i32
      %mul3A_43 = arith.muli %scan3A_38, %mul3A_42 : i32
      %swap3A_44 = arith.index_cast %mul3A_43 : i32 to index
      %swap3A_45 = tpu.vector_load %arg8[%swap3A_44] {strides = array<i32>} : memref<10000xf32, #tpu.memory_space<vmem>>, vector<16xf32>,
      tpu.vector_store %arg8[%swap3A_44], %broadcast_in_dim3A_12 {strides = array<i32>} : memref<10000xf32, #tpu.memory_space<vmem>>, vector<16xf32>,
    }
    %scan3A_17 = arith.constant 625 : i32
    %dma_wait3A = arith.constant 0 : i32
    %dma_wait3A_18 = tpu.memref_slice %arg2[%add3A, %dma_wait3A] : memref<32x10000xi32, #tpu.memory_space<hbm>> -> memref<1x10000xi32, #tpu.memory_space<hbm>>
    %dma_wait3A_19 = tpu.memref_squeeze %dma_wait3A_18 : memref<1x10000xi32, #tpu.memory_space<hbm>> -> memref<10000xi32, #tpu.memory_space<hbm>>
    %dma_wait3A_20 = arith.constant 0 : i32
    %dma_wait3A_21 = tpu.memref_slice %arg2[%add3A, %dma_wait3A_20] : memref<32x10000xi32, #tpu.memory_space<hbm>> -> memref<1x10000xi32, #tpu.memory_space<hbm>>
    %dma_wait3A_22 = tpu.memref_squeeze %dma_wait3A_21 : memref<1x10000xi32, #tpu.memory_space<hbm>> -> memref<10000xi32, #tpu.memory_space<hbm>>
    tpu.wait_dma2 semaphore(%arg9 : memref<!tpu.dma_semaphore, #tpu.memory_space<semaphore_mem>>) src(%dma_wait3A_22 : memref<10000xi32, #tpu.memory_space<hbm>>) dst(%arg5 : memref<10000xi32, #tpu.memory_space<vmem>>)
    %dma_wait3A_23 = arith.constant 0 : i32
    %dma_wait3A_24 = tpu.memref_slice %arg3[%add3A, %dma_wait3A_23] : memref<32x10000xi32, #tpu.memory_space<hbm>> -> memref<1x10000xi32, #tpu.memory_space<hbm>>
    %dma_wait3A_25 = tpu.memref_squeeze %dma_wait3A_24 : memref<1x10000xi32, #tpu.memory_space<hbm>> -> memref<10000xi32, #tpu.memory_space<hbm>>
    %dma_wait3A_26 = arith.constant 0 : i32
    %dma_wait3A_27 = tpu.memref_slice %arg3[%add3A, %dma_wait3A_26] : memref<32x10000xi32, #tpu.memory_space<hbm>> -> memref<1x10000xi32, #tpu.memory_space<hbm>>
    %dma_wait3A_28 = tpu.memref_squeeze %dma_wait3A_27 : memref<1x10000xi32, #tpu.memory_space<hbm>> -> memref<10000xi32, #tpu.memory_space<hbm>>
    tpu.wait_dma2 semaphore(%arg10 : memref<!tpu.dma_semaphore, #tpu.memory_space<semaphore_mem>>) src(%dma_wait3A_28 : memref<10000xi32, #tpu.memory_space<hbm>>) dst(%arg6 : memref<10000xi32, #tpu.memory_space<vmem>>)
    %broadcast_in_dim3A_29 = arith.constant 1.000000e+00 : f32
    %broadcast_in_dim3A_30 = vector.broadcast %broadcast_in_dim3A_29 : f32 to vector<16xf32>
    %scan3A_31 = arith.constant 0 : i32
    %scan3A_32 = arith.constant 0 : i32
    %scan3A_33 = arith.constant 125 : i32
    %scan3A_34 = arith.addi %scan3A_32, %scan3A_33 : i32
    %scan3A_35 = arith.constant 1 : i32
    scf.for %scan3A_38 = %scan3A_32 to %scan3A_34 step %scan3A_35  : i32 {
      %mul3A_39 = arith.constant 80 : i32
      %mul3A_40 = arith.muli %scan3A_38, %mul3A_39 : i32
      %add3A_41 = arith.constant 0 : i32
      %add3A_42 = arith.addi %mul3A_40, %add3A_41 : i32
      %get3A = arith.index_cast %add3A_42 : i32 to index
      %get3A_43 = tpu.vector_load %arg5[%get3A] {strides = array<i32>} : memref<10000xi32, #tpu.memory_space<vmem>>, vector<16xi32>,
      tpu.vector_store_idx %arg7[%get3A_43], %broadcast_in_dim3A_30 {add = true} : memref<10000xf32, #tpu.memory_space<vmem>>[vector<16xi32>], vector<16xf32>,
      %mul3A_44 = arith.constant 80 : i32
      %mul3A_45 = arith.muli %scan3A_38, %mul3A_44 : i32
      %add3A_46 = arith.constant 0 : i32
      %add3A_47 = arith.addi %mul3A_45, %add3A_46 : i32
      %get3A_48 = arith.index_cast %add3A_47 : i32 to index
      %get3A_49 = tpu.vector_load %arg6[%get3A_48] {strides = array<i32>} : memref<10000xi32, #tpu.memory_space<vmem>>, vector<16xi32>,
      tpu.vector_store_idx %arg8[%get3A_49], %broadcast_in_dim3A_30 {add = true} : memref<10000xf32, #tpu.memory_space<vmem>>[vector<16xi32>], vector<16xf32>,
      %mul3A_50 = arith.constant 80 : i32
      %mul3A_51 = arith.muli %scan3A_38, %mul3A_50 : i32
      %add3A_52 = arith.constant 16 : i32
      %add3A_53 = arith.addi %mul3A_51, %add3A_52 : i32
      %get3A_54 = arith.index_cast %add3A_53 : i32 to index
      %get3A_55 = tpu.vector_load %arg5[%get3A_54] {strides = array<i32>} : memref<10000xi32, #tpu.memory_space<vmem>>, vector<16xi32>,
      tpu.vector_store_idx %arg7[%get3A_55], %broadcast_in_dim3A_30 {add = true} : memref<10000xf32, #tpu.memory_space<vmem>>[vector<16xi32>], vector<16xf32>,
      %mul3A_56 = arith.constant 80 : i32
      %mul3A_57 = arith.muli %scan3A_38, %mul3A_56 : i32
      %add3A_58 = arith.constant 16 : i32
      %add3A_59 = arith.addi %mul3A_57, %add3A_58 : i32
      %get3A_60 = arith.index_cast %add3A_59 : i32 to index
      %get3A_61 = tpu.vector_load %arg6[%get3A_60] {strides = array<i32>} : memref<10000xi32, #tpu.memory_space<vmem>>, vector<16xi32>,
      tpu.vector_store_idx %arg8[%get3A_61], %broadcast_in_dim3A_30 {add = true} : memref<10000xf32, #tpu.memory_space<vmem>>[vector<16xi32>], vector<16xf32>,
      %mul3A_62 = arith.constant 80 : i32
      %mul3A_63 = arith.muli %scan3A_38, %mul3A_62 : i32
      %add3A_64 = arith.constant 32 : i32
      %add3A_65 = arith.addi %mul3A_63, %add3A_64 : i32
      %get3A_66 = arith.index_cast %add3A_65 : i32 to index
      %get3A_67 = tpu.vector_load %arg5[%get3A_66] {strides = array<i32>} : memref<10000xi32, #tpu.memory_space<vmem>>, vector<16xi32>,
      tpu.vector_store_idx %arg7[%get3A_67], %broadcast_in_dim3A_30 {add = true} : memref<10000xf32, #tpu.memory_space<vmem>>[vector<16xi32>], vector<16xf32>,
      %mul3A_68 = arith.constant 80 : i32
      %mul3A_69 = arith.muli %scan3A_38, %mul3A_68 : i32
      %add3A_70 = arith.constant 32 : i32
      %add3A_71 = arith.addi %mul3A_69, %add3A_70 : i32
      %get3A_72 = arith.index_cast %add3A_71 : i32 to index
      %get3A_73 = tpu.vector_load %arg6[%get3A_72] {strides = array<i32>} : memref<10000xi32, #tpu.memory_space<vmem>>, vector<16xi32>,
      tpu.vector_store_idx %arg8[%get3A_73], %broadcast_in_dim3A_30 {add = true} : memref<10000xf32, #tpu.memory_space<vmem>>[vector<16xi32>], vector<16xf32>,
      %mul3A_74 = arith.constant 80 : i32
      %mul3A_75 = arith.muli %scan3A_38, %mul3A_74 : i32
      %add3A_76 = arith.constant 48 : i32
      %add3A_77 = arith.addi %mul3A_75, %add3A_76 : i32
      %get3A_78 = arith.index_cast %add3A_77 : i32 to index
      %get3A_79 = tpu.vector_load %arg5[%get3A_78] {strides = array<i32>} : memref<10000xi32, #tpu.memory_space<vmem>>, vector<16xi32>,
      tpu.vector_store_idx %arg7[%get3A_79], %broadcast_in_dim3A_30 {add = true} : memref<10000xf32, #tpu.memory_space<vmem>>[vector<16xi32>], vector<16xf32>,
      %mul3A_80 = arith.constant 80 : i32
      %mul3A_81 = arith.muli %scan3A_38, %mul3A_80 : i32
      %add3A_82 = arith.constant 48 : i32
      %add3A_83 = arith.addi %mul3A_81, %add3A_82 : i32
      %get3A_84 = arith.index_cast %add3A_83 : i32 to index
      %get3A_85 = tpu.vector_load %arg6[%get3A_84] {strides = array<i32>} : memref<10000xi32, #tpu.memory_space<vmem>>, vector<16xi32>,
      tpu.vector_store_idx %arg8[%get3A_85], %broadcast_in_dim3A_30 {add = true} : memref<10000xf32, #tpu.memory_space<vmem>>[vector<16xi32>], vector<16xf32>,
      %mul3A_86 = arith.constant 80 : i32
      %mul3A_87 = arith.muli %scan3A_38, %mul3A_86 : i32
      %add3A_88 = arith.constant 64 : i32
      %add3A_89 = arith.addi %mul3A_87, %add3A_88 : i32
      %get3A_90 = arith.index_cast %add3A_89 : i32 to index
      %get3A_91 = tpu.vector_load %arg5[%get3A_90] {strides = array<i32>} : memref<10000xi32, #tpu.memory_space<vmem>>, vector<16xi32>,
      tpu.vector_store_idx %arg7[%get3A_91], %broadcast_in_dim3A_30 {add = true} : memref<10000xf32, #tpu.memory_space<vmem>>[vector<16xi32>], vector<16xf32>,
      %mul3A_92 = arith.constant 80 : i32
      %mul3A_93 = arith.muli %scan3A_38, %mul3A_92 : i32
      %add3A_94 = arith.constant 64 : i32
      %add3A_95 = arith.addi %mul3A_93, %add3A_94 : i32
      %get3A_96 = arith.index_cast %add3A_95 : i32 to index
      %get3A_97 = tpu.vector_load %arg6[%get3A_96] {strides = array<i32>} : memref<10000xi32, #tpu.memory_space<vmem>>, vector<16xi32>,
      tpu.vector_store_idx %arg8[%get3A_97], %broadcast_in_dim3A_30 {add = true} : memref<10000xf32, #tpu.memory_space<vmem>>[vector<16xi32>], vector<16xf32>,
    }
    %scan3A_36 = arith.constant 125 : i32
    %run_scoped3A = arith.constant 0 : i32
    "tpu.region"() ({
      %run_scoped3A_38 = tpu.sem_alloc : memref<!tpu.dma_semaphore, #tpu.memory_space<semaphore_mem>>
      %dma_start3A_39 = arith.constant 0 : i32
      %dma_start3A_40 = tpu.memref_slice %arg4[%add3A, %run_scoped3A, %dma_start3A_39] : memref<32x2x10000xf32, #tpu.memory_space<hbm>> -> memref<1x1x10000xf32, #tpu.memory_space<hbm>>
      %dma_start3A_41 = tpu.memref_squeeze %dma_start3A_40 : memref<1x1x10000xf32, #tpu.memory_space<hbm>> -> memref<10000xf32, #tpu.memory_space<hbm>>
      %dma_start3A_42 = arith.constant 0 : i32
      %dma_start3A_43 = tpu.memref_slice %arg4[%add3A, %run_scoped3A, %dma_start3A_42] : memref<32x2x10000xf32, #tpu.memory_space<hbm>> -> memref<1x1x10000xf32, #tpu.memory_space<hbm>>
      %dma_start3A_44 = tpu.memref_squeeze %dma_start3A_43 : memref<1x1x10000xf32, #tpu.memory_space<hbm>> -> memref<10000xf32, #tpu.memory_space<hbm>>
      tpu.enqueue_dma source(%arg7 : memref<10000xf32, #tpu.memory_space<vmem>>) target(%dma_start3A_44 : memref<10000xf32, #tpu.memory_space<hbm>>) target_semaphore(%run_scoped3A_38 : memref<!tpu.dma_semaphore, #tpu.memory_space<semaphore_mem>>)
      %dma_wait3A_45 = arith.constant 0 : i32
      %dma_wait3A_46 = tpu.memref_slice %arg4[%add3A, %run_scoped3A, %dma_wait3A_45] : memref<32x2x10000xf32, #tpu.memory_space<hbm>> -> memref<1x1x10000xf32, #tpu.memory_space<hbm>>
      %dma_wait3A_47 = tpu.memref_squeeze %dma_wait3A_46 : memref<1x1x10000xf32, #tpu.memory_space<hbm>> -> memref<10000xf32, #tpu.memory_space<hbm>>
      %dma_wait3A_48 = arith.constant 0 : i32
      %dma_wait3A_49 = tpu.memref_slice %arg4[%add3A, %run_scoped3A, %dma_wait3A_48] : memref<32x2x10000xf32, #tpu.memory_space<hbm>> -> memref<1x1x10000xf32, #tpu.memory_space<hbm>>
      %dma_wait3A_50 = tpu.memref_squeeze %dma_wait3A_49 : memref<1x1x10000xf32, #tpu.memory_space<hbm>> -> memref<10000xf32, #tpu.memory_space<hbm>>
      tpu.wait_dma2 semaphore(%run_scoped3A_38 : memref<!tpu.dma_semaphore, #tpu.memory_space<semaphore_mem>>) src(%arg7 : memref<10000xf32, #tpu.memory_space<vmem>>) dst(%dma_wait3A_50 : memref<10000xf32, #tpu.memory_space<hbm>>)
      tpu.yield
    }) : () -> ()
    %run_scoped3A_37 = arith.constant 1 : i32
    "tpu.region"() ({
      %run_scoped3A_38 = tpu.sem_alloc : memref<!tpu.dma_semaphore, #tpu.memory_space<semaphore_mem>>
      %dma_start3A_39 = arith.constant 0 : i32
      %dma_start3A_40 = tpu.memref_slice %arg4[%add3A, %run_scoped3A_37, %dma_start3A_39] : memref<32x2x10000xf32, #tpu.memory_space<hbm>> -> memref<1x1x10000xf32, #tpu.memory_space<hbm>>
      %dma_start3A_41 = tpu.memref_squeeze %dma_start3A_40 : memref<1x1x10000xf32, #tpu.memory_space<hbm>> -> memref<10000xf32, #tpu.memory_space<hbm>>
      %dma_start3A_42 = arith.constant 0 : i32
      %dma_start3A_43 = tpu.memref_slice %arg4[%add3A, %run_scoped3A_37, %dma_start3A_42] : memref<32x2x10000xf32, #tpu.memory_space<hbm>> -> memref<1x1x10000xf32, #tpu.memory_space<hbm>>
      %dma_start3A_44 = tpu.memref_squeeze %dma_start3A_43 : memref<1x1x10000xf32, #tpu.memory_space<hbm>> -> memref<10000xf32, #tpu.memory_space<hbm>>
      tpu.enqueue_dma source(%arg8 : memref<10000xf32, #tpu.memory_space<vmem>>) target(%dma_start3A_44 : memref<10000xf32, #tpu.memory_space<hbm>>) target_semaphore(%run_scoped3A_38 : memref<!tpu.dma_semaphore, #tpu.memory_space<semaphore_mem>>)
      %dma_wait3A_45 = arith.constant 0 : i32
      %dma_wait3A_46 = tpu.memref_slice %arg4[%add3A, %run_scoped3A_37, %dma_wait3A_45] : memref<32x2x10000xf32, #tpu.memory_space<hbm>> -> memref<1x1x10000xf32, #tpu.memory_space<hbm>>
      %dma_wait3A_47 = tpu.memref_squeeze %dma_wait3A_46 : memref<1x1x10000xf32, #tpu.memory_space<hbm>> -> memref<10000xf32, #tpu.memory_space<hbm>>
      %dma_wait3A_48 = arith.constant 0 : i32
      %dma_wait3A_49 = tpu.memref_slice %arg4[%add3A, %run_scoped3A_37, %dma_wait3A_48] : memref<32x2x10000xf32, #tpu.memory_space<hbm>> -> memref<1x1x10000xf32, #tpu.memory_space<hbm>>
      %dma_wait3A_50 = tpu.memref_squeeze %dma_wait3A_49 : memref<1x1x10000xf32, #tpu.memory_space<hbm>> -> memref<10000xf32, #tpu.memory_space<hbm>>
      tpu.wait_dma2 semaphore(%run_scoped3A_38 : memref<!tpu.dma_semaphore, #tpu.memory_space<semaphore_mem>>) src(%arg8 : memref<10000xf32, #tpu.memory_space<vmem>>) dst(%dma_wait3A_50 : memref<10000xf32, #tpu.memory_space<hbm>>)
      tpu.yield
    }) : () -> ()
    return
  }
}

#map = affine_map<(d0, d1) -> (0, 0)>
#map1 = affine_map<(d0, d1) -> (0, 0, 0)>
module attributes {stable_mosaic.version = 14 : i64} {
  func.func @prop(%arg0: i32, %arg1: i32, %arg2: memref<10000x128xf32, #tpu.memory_space<hbm>>, %arg3: memref<32x125x80xi32, #tpu.memory_space<hbm>>, %arg4: memref<32x125x80xi32, #tpu.memory_space<hbm>>, %arg5: memref<10000x128xf32, #tpu.memory_space<hbm>>, %arg6: memref<2x10000x128xf32, #tpu.memory_space<hbm>>, %arg7: memref<125x80xi32, #tpu.memory_space<vmem>>, %arg8: memref<125x80xi32, #tpu.memory_space<vmem>>, %arg9: memref<80x128xf32, #tpu.memory_space<vmem>>, %arg10: memref<80x128xf32, #tpu.memory_space<vmem>>, %arg11: memref<80x128xf32, #tpu.memory_space<vmem>>, %arg12: memref<10000x128xf32, #tpu.memory_space<vmem_shared>>, %arg13: memref<!tpu.dma_semaphore, #tpu.memory_space<semaphore_mem>>, %arg14: memref<!tpu.dma_semaphore, #tpu.memory_space<semaphore_mem>>, %arg15: memref<!tpu.dma_semaphore, #tpu.memory_space<semaphore_mem>>, %arg16: memref<!tpu.dma_semaphore, #tpu.memory_space<semaphore_mem>>) attributes {dimension_semantics = [#tpu.dimension_semantics<core_parallel>, #tpu.dimension_semantics<subcore_parallel>], iteration_bounds = array<i64: 2, 16>, scalar_prefetch = 0 : i64, scratch_operands = 10 : i64, tpu.core_type = #tpu.core_type<sc_vector_subcore>, window_params = [{transform_indices = #map}, {transform_indices = #map1}, {transform_indices = #map1}, {transform_indices = #map}, {transform_indices = #map1}]} {
    %mul3A = arith.constant 2 : i32
    %mul3A_0 = arith.muli %arg1, %mul3A : i32
    %add3A = arith.addi %mul3A_0, %arg0 : i32
    %mul3A_1 = arith.constant 625 : i32
    %mul3A_2 = arith.muli %arg1, %mul3A_1 : i32
    %mul3A_3 = arith.constant 625 : i32
    %mul3A_4 = arith.muli %arg1, %mul3A_3 : i32
    %dma_start3A = arith.constant 0 : i32
    %dma_start3A_5 = tpu.memref_slice %arg12[%mul3A_4, %dma_start3A] : memref<10000x128xf32, #tpu.memory_space<vmem_shared>> -> memref<625x128xf32, #tpu.memory_space<vmem_shared>>
    %dma_start3A_6 = arith.constant 0 : i32
    %dma_start3A_7 = tpu.memref_slice %arg5[%mul3A_2, %dma_start3A_6] : memref<10000x128xf32, #tpu.memory_space<hbm>> -> memref<625x128xf32, #tpu.memory_space<hbm>>
    tpu.enqueue_dma source(%dma_start3A_7 : memref<625x128xf32, #tpu.memory_space<hbm>>) target(%dma_start3A_5 : memref<625x128xf32, #tpu.memory_space<vmem_shared>>) target_semaphore(%arg16 : memref<!tpu.dma_semaphore, #tpu.memory_space<semaphore_mem>>)
    %dma_start3A_8 = arith.constant 0 : i32
    %dma_start3A_9 = arith.constant 0 : i32
    %dma_start3A_10 = tpu.memref_slice %arg3[%add3A, %dma_start3A_8, %dma_start3A_9] : memref<32x125x80xi32, #tpu.memory_space<hbm>> -> memref<1x125x80xi32, #tpu.memory_space<hbm>>
    %dma_start3A_11 = tpu.memref_squeeze %dma_start3A_10 : memref<1x125x80xi32, #tpu.memory_space<hbm>> -> memref<125x80xi32, #tpu.memory_space<hbm>>
    %dma_start3A_12 = arith.constant 0 : i32
    %dma_start3A_13 = arith.constant 0 : i32
    %dma_start3A_14 = tpu.memref_slice %arg3[%add3A, %dma_start3A_12, %dma_start3A_13] : memref<32x125x80xi32, #tpu.memory_space<hbm>> -> memref<1x125x80xi32, #tpu.memory_space<hbm>>
    %dma_start3A_15 = tpu.memref_squeeze %dma_start3A_14 : memref<1x125x80xi32, #tpu.memory_space<hbm>> -> memref<125x80xi32, #tpu.memory_space<hbm>>
    tpu.enqueue_dma source(%dma_start3A_15 : memref<125x80xi32, #tpu.memory_space<hbm>>) target(%arg7 : memref<125x80xi32, #tpu.memory_space<vmem>>) target_semaphore(%arg13 : memref<!tpu.dma_semaphore, #tpu.memory_space<semaphore_mem>>)
    %dma_start3A_16 = arith.constant 0 : i32
    %dma_start3A_17 = arith.constant 0 : i32
    %dma_start3A_18 = tpu.memref_slice %arg4[%add3A, %dma_start3A_16, %dma_start3A_17] : memref<32x125x80xi32, #tpu.memory_space<hbm>> -> memref<1x125x80xi32, #tpu.memory_space<hbm>>
    %dma_start3A_19 = tpu.memref_squeeze %dma_start3A_18 : memref<1x125x80xi32, #tpu.memory_space<hbm>> -> memref<125x80xi32, #tpu.memory_space<hbm>>
    %dma_start3A_20 = arith.constant 0 : i32
    %dma_start3A_21 = arith.constant 0 : i32
    %dma_start3A_22 = tpu.memref_slice %arg4[%add3A, %dma_start3A_20, %dma_start3A_21] : memref<32x125x80xi32, #tpu.memory_space<hbm>> -> memref<1x125x80xi32, #tpu.memory_space<hbm>>
    %dma_start3A_23 = tpu.memref_squeeze %dma_start3A_22 : memref<1x125x80xi32, #tpu.memory_space<hbm>> -> memref<125x80xi32, #tpu.memory_space<hbm>>
    tpu.enqueue_dma source(%dma_start3A_23 : memref<125x80xi32, #tpu.memory_space<hbm>>) target(%arg8 : memref<125x80xi32, #tpu.memory_space<vmem>>) target_semaphore(%arg14 : memref<!tpu.dma_semaphore, #tpu.memory_space<semaphore_mem>>)
    %dma_wait3A = arith.constant 0 : i32
    %dma_wait3A_24 = arith.constant 0 : i32
    %dma_wait3A_25 = tpu.memref_slice %arg3[%add3A, %dma_wait3A, %dma_wait3A_24] : memref<32x125x80xi32, #tpu.memory_space<hbm>> -> memref<1x125x80xi32, #tpu.memory_space<hbm>>
    %dma_wait3A_26 = tpu.memref_squeeze %dma_wait3A_25 : memref<1x125x80xi32, #tpu.memory_space<hbm>> -> memref<125x80xi32, #tpu.memory_space<hbm>>
    %dma_wait3A_27 = arith.constant 0 : i32
    %dma_wait3A_28 = arith.constant 0 : i32
    %dma_wait3A_29 = tpu.memref_slice %arg3[%add3A, %dma_wait3A_27, %dma_wait3A_28] : memref<32x125x80xi32, #tpu.memory_space<hbm>> -> memref<1x125x80xi32, #tpu.memory_space<hbm>>
    %dma_wait3A_30 = tpu.memref_squeeze %dma_wait3A_29 : memref<1x125x80xi32, #tpu.memory_space<hbm>> -> memref<125x80xi32, #tpu.memory_space<hbm>>
    tpu.wait_dma2 semaphore(%arg13 : memref<!tpu.dma_semaphore, #tpu.memory_space<semaphore_mem>>) src(%dma_wait3A_30 : memref<125x80xi32, #tpu.memory_space<hbm>>) dst(%arg7 : memref<125x80xi32, #tpu.memory_space<vmem>>)
    %dma_wait3A_31 = arith.constant 0 : i32
    %dma_wait3A_32 = arith.constant 0 : i32
    %dma_wait3A_33 = tpu.memref_slice %arg4[%add3A, %dma_wait3A_31, %dma_wait3A_32] : memref<32x125x80xi32, #tpu.memory_space<hbm>> -> memref<1x125x80xi32, #tpu.memory_space<hbm>>
    %dma_wait3A_34 = tpu.memref_squeeze %dma_wait3A_33 : memref<1x125x80xi32, #tpu.memory_space<hbm>> -> memref<125x80xi32, #tpu.memory_space<hbm>>
    %dma_wait3A_35 = arith.constant 0 : i32
    %dma_wait3A_36 = arith.constant 0 : i32
    %dma_wait3A_37 = tpu.memref_slice %arg4[%add3A, %dma_wait3A_35, %dma_wait3A_36] : memref<32x125x80xi32, #tpu.memory_space<hbm>> -> memref<1x125x80xi32, #tpu.memory_space<hbm>>
    %dma_wait3A_38 = tpu.memref_squeeze %dma_wait3A_37 : memref<1x125x80xi32, #tpu.memory_space<hbm>> -> memref<125x80xi32, #tpu.memory_space<hbm>>
    tpu.wait_dma2 semaphore(%arg14 : memref<!tpu.dma_semaphore, #tpu.memory_space<semaphore_mem>>) src(%dma_wait3A_38 : memref<125x80xi32, #tpu.memory_space<hbm>>) dst(%arg8 : memref<125x80xi32, #tpu.memory_space<vmem>>)
    %dma_start3A_39 = arith.constant 0 : i32
    %dma_start3A_40 = arith.constant 0 : i32
    %dma_start3A_41 = tpu.memref_slice %arg7[%dma_start3A_39, %dma_start3A_40] : memref<125x80xi32, #tpu.memory_space<vmem>> -> memref<1x80xi32, #tpu.memory_space<vmem>>
    %dma_start3A_42 = tpu.memref_squeeze %dma_start3A_41 : memref<1x80xi32, #tpu.memory_space<vmem>> -> memref<80xi32, #tpu.memory_space<vmem>>
    %dma_start3A_43 = arith.constant 0 : i32
    %dma_start3A_44 = arith.constant 0 : i32
    %dma_start3A_45 = tpu.memref_slice %arg2[%dma_start3A_43, %dma_start3A_44] : memref<10000x128xf32, #tpu.memory_space<hbm>> -> memref<10000x128xf32, #tpu.memory_space<hbm>>
    tpu.enqueue_indirect_dma source(%dma_start3A_45 : memref<10000x128xf32, #tpu.memory_space<hbm>>) target(%arg9 : memref<80x128xf32, #tpu.memory_space<vmem>>) offsets(%dma_start3A_42 : memref<80xi32, #tpu.memory_space<vmem>>) semaphore(%arg13 : memref<!tpu.dma_semaphore, #tpu.memory_space<semaphore_mem>>)
    %dma_start3A_46 = arith.constant 1 : i32
    %dma_start3A_47 = arith.constant 0 : i32
    %dma_start3A_48 = tpu.memref_slice %arg7[%dma_start3A_46, %dma_start3A_47] : memref<125x80xi32, #tpu.memory_space<vmem>> -> memref<1x80xi32, #tpu.memory_space<vmem>>
    %dma_start3A_49 = tpu.memref_squeeze %dma_start3A_48 : memref<1x80xi32, #tpu.memory_space<vmem>> -> memref<80xi32, #tpu.memory_space<vmem>>
    %dma_start3A_50 = arith.constant 0 : i32
    %dma_start3A_51 = arith.constant 0 : i32
    %dma_start3A_52 = tpu.memref_slice %arg2[%dma_start3A_50, %dma_start3A_51] : memref<10000x128xf32, #tpu.memory_space<hbm>> -> memref<10000x128xf32, #tpu.memory_space<hbm>>
    tpu.enqueue_indirect_dma source(%dma_start3A_52 : memref<10000x128xf32, #tpu.memory_space<hbm>>) target(%arg10 : memref<80x128xf32, #tpu.memory_space<vmem>>) offsets(%dma_start3A_49 : memref<80xi32, #tpu.memory_space<vmem>>) semaphore(%arg14 : memref<!tpu.dma_semaphore, #tpu.memory_space<semaphore_mem>>)
    %dma_start3A_53 = arith.constant 2 : i32
    %dma_start3A_54 = arith.constant 0 : i32
    %dma_start3A_55 = tpu.memref_slice %arg7[%dma_start3A_53, %dma_start3A_54] : memref<125x80xi32, #tpu.memory_space<vmem>> -> memref<1x80xi32, #tpu.memory_space<vmem>>
    %dma_start3A_56 = tpu.memref_squeeze %dma_start3A_55 : memref<1x80xi32, #tpu.memory_space<vmem>> -> memref<80xi32, #tpu.memory_space<vmem>>
    %dma_start3A_57 = arith.constant 0 : i32
    %dma_start3A_58 = arith.constant 0 : i32
    %dma_start3A_59 = tpu.memref_slice %arg2[%dma_start3A_57, %dma_start3A_58] : memref<10000x128xf32, #tpu.memory_space<hbm>> -> memref<10000x128xf32, #tpu.memory_space<hbm>>
    tpu.enqueue_indirect_dma source(%dma_start3A_59 : memref<10000x128xf32, #tpu.memory_space<hbm>>) target(%arg11 : memref<80x128xf32, #tpu.memory_space<vmem>>) offsets(%dma_start3A_56 : memref<80xi32, #tpu.memory_space<vmem>>) semaphore(%arg15 : memref<!tpu.dma_semaphore, #tpu.memory_space<semaphore_mem>>)
    %dma_wait3A_60 = arith.constant 0 : i32
    %dma_wait3A_61 = tpu.memref_slice %arg12[%mul3A_4, %dma_wait3A_60] : memref<10000x128xf32, #tpu.memory_space<vmem_shared>> -> memref<625x128xf32, #tpu.memory_space<vmem_shared>>
    %dma_wait3A_62 = arith.constant 0 : i32
    %dma_wait3A_63 = tpu.memref_slice %arg5[%mul3A_2, %dma_wait3A_62] : memref<10000x128xf32, #tpu.memory_space<hbm>> -> memref<625x128xf32, #tpu.memory_space<hbm>>
    tpu.wait_dma2 semaphore(%arg16 : memref<!tpu.dma_semaphore, #tpu.memory_space<semaphore_mem>>) src(%dma_wait3A_63 : memref<625x128xf32, #tpu.memory_space<hbm>>) dst(%dma_wait3A_61 : memref<625x128xf32, #tpu.memory_space<vmem_shared>>)
    %barrier3A = arith.constant 0 : index
    tpu.barrier barrier_id(%barrier3A)
    %scan3A = arith.constant 0 : i32
    %scan3A_64 = arith.constant 0 : i32
    %scan3A_65 = arith.constant 40 : i32
    %scan3A_66 = arith.addi %scan3A_64, %scan3A_65 : i32
    %scan3A_67 = arith.constant 1 : i32
    scf.for %scan3A_127 = %scan3A_64 to %scan3A_66 step %scan3A_67  : i32 {
      %mul3A_128 = arith.constant 3 : i32
      %mul3A_129 = arith.muli %mul3A_128, %scan3A_127 : i32
      %add3A_130 = arith.constant 0 : i32
      %add3A_131 = arith.addi %mul3A_129, %add3A_130 : i32
      %dma_wait3A_132 = arith.constant 0 : i32
      %dma_wait3A_133 = tpu.memref_slice %arg7[%add3A_131, %dma_wait3A_132] : memref<125x80xi32, #tpu.memory_space<vmem>> -> memref<1x80xi32, #tpu.memory_space<vmem>>
      %dma_wait3A_134 = tpu.memref_squeeze %dma_wait3A_133 : memref<1x80xi32, #tpu.memory_space<vmem>> -> memref<80xi32, #tpu.memory_space<vmem>>
      %dma_wait3A_135 = arith.constant 0 : i32
      %dma_wait3A_136 = arith.constant 0 : i32
      %dma_wait3A_137 = tpu.memref_slice %arg2[%dma_wait3A_135, %dma_wait3A_136] : memref<10000x128xf32, #tpu.memory_space<hbm>> -> memref<10000x128xf32, #tpu.memory_space<hbm>>
      tpu.wait_indirect_dma semaphore(%arg13 : memref<!tpu.dma_semaphore, #tpu.memory_space<semaphore_mem>>) src(%dma_wait3A_137 : memref<10000x128xf32, #tpu.memory_space<hbm>>) dst(%arg9 : memref<80x128xf32, #tpu.memory_space<vmem>>)
      "tpu.region"() ({
        %run_scoped3A_184 = tpu.sem_alloc : memref<!tpu.dma_semaphore, #tpu.memory_space<semaphore_mem>>
        %dma_start3A_185 = arith.constant 0 : i32
        %dma_start3A_186 = tpu.memref_slice %arg8[%add3A_131, %dma_start3A_185] : memref<125x80xi32, #tpu.memory_space<vmem>> -> memref<1x80xi32, #tpu.memory_space<vmem>>
        %dma_start3A_187 = tpu.memref_squeeze %dma_start3A_186 : memref<1x80xi32, #tpu.memory_space<vmem>> -> memref<80xi32, #tpu.memory_space<vmem>>
        %dma_start3A_188 = arith.constant 0 : i32
        %dma_start3A_189 = arith.constant 0 : i32
        %dma_start3A_190 = tpu.memref_slice %arg12[%dma_start3A_188, %dma_start3A_189] : memref<10000x128xf32, #tpu.memory_space<vmem_shared>> -> memref<10000x128xf32, #tpu.memory_space<vmem_shared>>
        tpu.enqueue_indirect_dma source(%arg9 : memref<80x128xf32, #tpu.memory_space<vmem>>) target(%dma_start3A_190 : memref<10000x128xf32, #tpu.memory_space<vmem_shared>>) offsets(%dma_start3A_187 : memref<80xi32, #tpu.memory_space<vmem>>) semaphore(%run_scoped3A_184 : memref<!tpu.dma_semaphore, #tpu.memory_space<semaphore_mem>>) {add = true}
        %dma_wait3A_191 = arith.constant 0 : i32
        %dma_wait3A_192 = tpu.memref_slice %arg8[%add3A_131, %dma_wait3A_191] : memref<125x80xi32, #tpu.memory_space<vmem>> -> memref<1x80xi32, #tpu.memory_space<vmem>>
        %dma_wait3A_193 = tpu.memref_squeeze %dma_wait3A_192 : memref<1x80xi32, #tpu.memory_space<vmem>> -> memref<80xi32, #tpu.memory_space<vmem>>
        %dma_wait3A_194 = arith.constant 0 : i32
        %dma_wait3A_195 = arith.constant 0 : i32
        %dma_wait3A_196 = tpu.memref_slice %arg12[%dma_wait3A_194, %dma_wait3A_195] : memref<10000x128xf32, #tpu.memory_space<vmem_shared>> -> memref<10000x128xf32, #tpu.memory_space<vmem_shared>>
        tpu.wait_indirect_dma semaphore(%run_scoped3A_184 : memref<!tpu.dma_semaphore, #tpu.memory_space<semaphore_mem>>) src(%arg9 : memref<80x128xf32, #tpu.memory_space<vmem>>) dst(%dma_wait3A_196 : memref<10000x128xf32, #tpu.memory_space<vmem_shared>>)
        tpu.yield
      }) : () -> ()
      %add3A_138 = arith.constant 0 : i32
      %add3A_139 = arith.addi %mul3A_129, %add3A_138 : i32
      %add3A_140 = arith.constant 3 : i32
      %add3A_141 = arith.addi %add3A_139, %add3A_140 : i32
      %dma_start3A_142 = arith.constant 0 : i32
      %dma_start3A_143 = tpu.memref_slice %arg7[%add3A_141, %dma_start3A_142] : memref<125x80xi32, #tpu.memory_space<vmem>> -> memref<1x80xi32, #tpu.memory_space<vmem>>
      %dma_start3A_144 = tpu.memref_squeeze %dma_start3A_143 : memref<1x80xi32, #tpu.memory_space<vmem>> -> memref<80xi32, #tpu.memory_space<vmem>>
      %dma_start3A_145 = arith.constant 0 : i32
      %dma_start3A_146 = arith.constant 0 : i32
      %dma_start3A_147 = tpu.memref_slice %arg2[%dma_start3A_145, %dma_start3A_146] : memref<10000x128xf32, #tpu.memory_space<hbm>> -> memref<10000x128xf32, #tpu.memory_space<hbm>>
      tpu.enqueue_indirect_dma source(%dma_start3A_147 : memref<10000x128xf32, #tpu.memory_space<hbm>>) target(%arg9 : memref<80x128xf32, #tpu.memory_space<vmem>>) offsets(%dma_start3A_144 : memref<80xi32, #tpu.memory_space<vmem>>) semaphore(%arg13 : memref<!tpu.dma_semaphore, #tpu.memory_space<semaphore_mem>>)
      %add3A_148 = arith.constant 1 : i32
      %add3A_149 = arith.addi %mul3A_129, %add3A_148 : i32
      %dma_wait3A_150 = arith.constant 0 : i32
      %dma_wait3A_151 = tpu.memref_slice %arg7[%add3A_149, %dma_wait3A_150] : memref<125x80xi32, #tpu.memory_space<vmem>> -> memref<1x80xi32, #tpu.memory_space<vmem>>
      %dma_wait3A_152 = tpu.memref_squeeze %dma_wait3A_151 : memref<1x80xi32, #tpu.memory_space<vmem>> -> memref<80xi32, #tpu.memory_space<vmem>>
      %dma_wait3A_153 = arith.constant 0 : i32
      %dma_wait3A_154 = arith.constant 0 : i32
      %dma_wait3A_155 = tpu.memref_slice %arg2[%dma_wait3A_153, %dma_wait3A_154] : memref<10000x128xf32, #tpu.memory_space<hbm>> -> memref<10000x128xf32, #tpu.memory_space<hbm>>
      tpu.wait_indirect_dma semaphore(%arg14 : memref<!tpu.dma_semaphore, #tpu.memory_space<semaphore_mem>>) src(%dma_wait3A_155 : memref<10000x128xf32, #tpu.memory_space<hbm>>) dst(%arg10 : memref<80x128xf32, #tpu.memory_space<vmem>>)
      "tpu.region"() ({
        %run_scoped3A_184 = tpu.sem_alloc : memref<!tpu.dma_semaphore, #tpu.memory_space<semaphore_mem>>
        %dma_start3A_185 = arith.constant 0 : i32
        %dma_start3A_186 = tpu.memref_slice %arg8[%add3A_149, %dma_start3A_185] : memref<125x80xi32, #tpu.memory_space<vmem>> -> memref<1x80xi32, #tpu.memory_space<vmem>>
        %dma_start3A_187 = tpu.memref_squeeze %dma_start3A_186 : memref<1x80xi32, #tpu.memory_space<vmem>> -> memref<80xi32, #tpu.memory_space<vmem>>
        %dma_start3A_188 = arith.constant 0 : i32
        %dma_start3A_189 = arith.constant 0 : i32
        %dma_start3A_190 = tpu.memref_slice %arg12[%dma_start3A_188, %dma_start3A_189] : memref<10000x128xf32, #tpu.memory_space<vmem_shared>> -> memref<10000x128xf32, #tpu.memory_space<vmem_shared>>
        tpu.enqueue_indirect_dma source(%arg10 : memref<80x128xf32, #tpu.memory_space<vmem>>) target(%dma_start3A_190 : memref<10000x128xf32, #tpu.memory_space<vmem_shared>>) offsets(%dma_start3A_187 : memref<80xi32, #tpu.memory_space<vmem>>) semaphore(%run_scoped3A_184 : memref<!tpu.dma_semaphore, #tpu.memory_space<semaphore_mem>>) {add = true}
        %dma_wait3A_191 = arith.constant 0 : i32
        %dma_wait3A_192 = tpu.memref_slice %arg8[%add3A_149, %dma_wait3A_191] : memref<125x80xi32, #tpu.memory_space<vmem>> -> memref<1x80xi32, #tpu.memory_space<vmem>>
        %dma_wait3A_193 = tpu.memref_squeeze %dma_wait3A_192 : memref<1x80xi32, #tpu.memory_space<vmem>> -> memref<80xi32, #tpu.memory_space<vmem>>
        %dma_wait3A_194 = arith.constant 0 : i32
        %dma_wait3A_195 = arith.constant 0 : i32
        %dma_wait3A_196 = tpu.memref_slice %arg12[%dma_wait3A_194, %dma_wait3A_195] : memref<10000x128xf32, #tpu.memory_space<vmem_shared>> -> memref<10000x128xf32, #tpu.memory_space<vmem_shared>>
        tpu.wait_indirect_dma semaphore(%run_scoped3A_184 : memref<!tpu.dma_semaphore, #tpu.memory_space<semaphore_mem>>) src(%arg10 : memref<80x128xf32, #tpu.memory_space<vmem>>) dst(%dma_wait3A_196 : memref<10000x128xf32, #tpu.memory_space<vmem_shared>>)
        tpu.yield
      }) : () -> ()
      %add3A_156 = arith.constant 1 : i32
      %add3A_157 = arith.addi %mul3A_129, %add3A_156 : i32
      %add3A_158 = arith.constant 3 : i32
      %add3A_159 = arith.addi %add3A_157, %add3A_158 : i32
      %dma_start3A_160 = arith.constant 0 : i32
      %dma_start3A_161 = tpu.memref_slice %arg7[%add3A_159, %dma_start3A_160] : memref<125x80xi32, #tpu.memory_space<vmem>> -> memref<1x80xi32, #tpu.memory_space<vmem>>
      %dma_start3A_162 = tpu.memref_squeeze %dma_start3A_161 : memref<1x80xi32, #tpu.memory_space<vmem>> -> memref<80xi32, #tpu.memory_space<vmem>>
      %dma_start3A_163 = arith.constant 0 : i32
      %dma_start3A_164 = arith.constant 0 : i32
      %dma_start3A_165 = tpu.memref_slice %arg2[%dma_start3A_163, %dma_start3A_164] : memref<10000x128xf32, #tpu.memory_space<hbm>> -> memref<10000x128xf32, #tpu.memory_space<hbm>>
      tpu.enqueue_indirect_dma source(%dma_start3A_165 : memref<10000x128xf32, #tpu.memory_space<hbm>>) target(%arg10 : memref<80x128xf32, #tpu.memory_space<vmem>>) offsets(%dma_start3A_162 : memref<80xi32, #tpu.memory_space<vmem>>) semaphore(%arg14 : memref<!tpu.dma_semaphore, #tpu.memory_space<semaphore_mem>>)
      %add3A_166 = arith.constant 2 : i32
      %add3A_167 = arith.addi %mul3A_129, %add3A_166 : i32
      %dma_wait3A_168 = arith.constant 0 : i32
      %dma_wait3A_169 = tpu.memref_slice %arg7[%add3A_167, %dma_wait3A_168] : memref<125x80xi32, #tpu.memory_space<vmem>> -> memref<1x80xi32, #tpu.memory_space<vmem>>
      %dma_wait3A_170 = tpu.memref_squeeze %dma_wait3A_169 : memref<1x80xi32, #tpu.memory_space<vmem>> -> memref<80xi32, #tpu.memory_space<vmem>>
      %dma_wait3A_171 = arith.constant 0 : i32
      %dma_wait3A_172 = arith.constant 0 : i32
      %dma_wait3A_173 = tpu.memref_slice %arg2[%dma_wait3A_171, %dma_wait3A_172] : memref<10000x128xf32, #tpu.memory_space<hbm>> -> memref<10000x128xf32, #tpu.memory_space<hbm>>
      tpu.wait_indirect_dma semaphore(%arg15 : memref<!tpu.dma_semaphore, #tpu.memory_space<semaphore_mem>>) src(%dma_wait3A_173 : memref<10000x128xf32, #tpu.memory_space<hbm>>) dst(%arg11 : memref<80x128xf32, #tpu.memory_space<vmem>>)
      "tpu.region"() ({
        %run_scoped3A_184 = tpu.sem_alloc : memref<!tpu.dma_semaphore, #tpu.memory_space<semaphore_mem>>
        %dma_start3A_185 = arith.constant 0 : i32
        %dma_start3A_186 = tpu.memref_slice %arg8[%add3A_167, %dma_start3A_185] : memref<125x80xi32, #tpu.memory_space<vmem>> -> memref<1x80xi32, #tpu.memory_space<vmem>>
        %dma_start3A_187 = tpu.memref_squeeze %dma_start3A_186 : memref<1x80xi32, #tpu.memory_space<vmem>> -> memref<80xi32, #tpu.memory_space<vmem>>
        %dma_start3A_188 = arith.constant 0 : i32
        %dma_start3A_189 = arith.constant 0 : i32
        %dma_start3A_190 = tpu.memref_slice %arg12[%dma_start3A_188, %dma_start3A_189] : memref<10000x128xf32, #tpu.memory_space<vmem_shared>> -> memref<10000x128xf32, #tpu.memory_space<vmem_shared>>
        tpu.enqueue_indirect_dma source(%arg11 : memref<80x128xf32, #tpu.memory_space<vmem>>) target(%dma_start3A_190 : memref<10000x128xf32, #tpu.memory_space<vmem_shared>>) offsets(%dma_start3A_187 : memref<80xi32, #tpu.memory_space<vmem>>) semaphore(%run_scoped3A_184 : memref<!tpu.dma_semaphore, #tpu.memory_space<semaphore_mem>>) {add = true}
        %dma_wait3A_191 = arith.constant 0 : i32
        %dma_wait3A_192 = tpu.memref_slice %arg8[%add3A_167, %dma_wait3A_191] : memref<125x80xi32, #tpu.memory_space<vmem>> -> memref<1x80xi32, #tpu.memory_space<vmem>>
        %dma_wait3A_193 = tpu.memref_squeeze %dma_wait3A_192 : memref<1x80xi32, #tpu.memory_space<vmem>> -> memref<80xi32, #tpu.memory_space<vmem>>
        %dma_wait3A_194 = arith.constant 0 : i32
        %dma_wait3A_195 = arith.constant 0 : i32
        %dma_wait3A_196 = tpu.memref_slice %arg12[%dma_wait3A_194, %dma_wait3A_195] : memref<10000x128xf32, #tpu.memory_space<vmem_shared>> -> memref<10000x128xf32, #tpu.memory_space<vmem_shared>>
        tpu.wait_indirect_dma semaphore(%run_scoped3A_184 : memref<!tpu.dma_semaphore, #tpu.memory_space<semaphore_mem>>) src(%arg11 : memref<80x128xf32, #tpu.memory_space<vmem>>) dst(%dma_wait3A_196 : memref<10000x128xf32, #tpu.memory_space<vmem_shared>>)
        tpu.yield
      }) : () -> ()
      %add3A_174 = arith.constant 2 : i32
      %add3A_175 = arith.addi %mul3A_129, %add3A_174 : i32
      %add3A_176 = arith.constant 3 : i32
      %add3A_177 = arith.addi %add3A_175, %add3A_176 : i32
      %dma_start3A_178 = arith.constant 0 : i32
      %dma_start3A_179 = tpu.memref_slice %arg7[%add3A_177, %dma_start3A_178] : memref<125x80xi32, #tpu.memory_space<vmem>> -> memref<1x80xi32, #tpu.memory_space<vmem>>
      %dma_start3A_180 = tpu.memref_squeeze %dma_start3A_179 : memref<1x80xi32, #tpu.memory_space<vmem>> -> memref<80xi32, #tpu.memory_space<vmem>>
      %dma_start3A_181 = arith.constant 0 : i32
      %dma_start3A_182 = arith.constant 0 : i32
      %dma_start3A_183 = tpu.memref_slice %arg2[%dma_start3A_181, %dma_start3A_182] : memref<10000x128xf32, #tpu.memory_space<hbm>> -> memref<10000x128xf32, #tpu.memory_space<hbm>>
      tpu.enqueue_indirect_dma source(%dma_start3A_183 : memref<10000x128xf32, #tpu.memory_space<hbm>>) target(%arg11 : memref<80x128xf32, #tpu.memory_space<vmem>>) offsets(%dma_start3A_180 : memref<80xi32, #tpu.memory_space<vmem>>) semaphore(%arg15 : memref<!tpu.dma_semaphore, #tpu.memory_space<semaphore_mem>>)
    }
    %scan3A_68 = arith.constant 40 : i32
    %dma_wait3A_69 = arith.constant 120 : i32
    %dma_wait3A_70 = arith.constant 0 : i32
    %dma_wait3A_71 = tpu.memref_slice %arg7[%dma_wait3A_69, %dma_wait3A_70] : memref<125x80xi32, #tpu.memory_space<vmem>> -> memref<1x80xi32, #tpu.memory_space<vmem>>
    %dma_wait3A_72 = tpu.memref_squeeze %dma_wait3A_71 : memref<1x80xi32, #tpu.memory_space<vmem>> -> memref<80xi32, #tpu.memory_space<vmem>>
    %dma_wait3A_73 = arith.constant 0 : i32
    %dma_wait3A_74 = arith.constant 0 : i32
    %dma_wait3A_75 = tpu.memref_slice %arg2[%dma_wait3A_73, %dma_wait3A_74] : memref<10000x128xf32, #tpu.memory_space<hbm>> -> memref<10000x128xf32, #tpu.memory_space<hbm>>
    tpu.wait_indirect_dma semaphore(%arg13 : memref<!tpu.dma_semaphore, #tpu.memory_space<semaphore_mem>>) src(%dma_wait3A_75 : memref<10000x128xf32, #tpu.memory_space<hbm>>) dst(%arg9 : memref<80x128xf32, #tpu.memory_space<vmem>>)
    %run_scoped3A = arith.constant 120 : i32
    "tpu.region"() ({
      %run_scoped3A_127 = tpu.sem_alloc : memref<!tpu.dma_semaphore, #tpu.memory_space<semaphore_mem>>
      %dma_start3A_128 = arith.constant 0 : i32
      %dma_start3A_129 = tpu.memref_slice %arg8[%run_scoped3A, %dma_start3A_128] : memref<125x80xi32, #tpu.memory_space<vmem>> -> memref<1x80xi32, #tpu.memory_space<vmem>>
      %dma_start3A_130 = tpu.memref_squeeze %dma_start3A_129 : memref<1x80xi32, #tpu.memory_space<vmem>> -> memref<80xi32, #tpu.memory_space<vmem>>
      %dma_start3A_131 = arith.constant 0 : i32
      %dma_start3A_132 = arith.constant 0 : i32
      %dma_start3A_133 = tpu.memref_slice %arg12[%dma_start3A_131, %dma_start3A_132] : memref<10000x128xf32, #tpu.memory_space<vmem_shared>> -> memref<10000x128xf32, #tpu.memory_space<vmem_shared>>
      tpu.enqueue_indirect_dma source(%arg9 : memref<80x128xf32, #tpu.memory_space<vmem>>) target(%dma_start3A_133 : memref<10000x128xf32, #tpu.memory_space<vmem_shared>>) offsets(%dma_start3A_130 : memref<80xi32, #tpu.memory_space<vmem>>) semaphore(%run_scoped3A_127 : memref<!tpu.dma_semaphore, #tpu.memory_space<semaphore_mem>>) {add = true}
      %dma_wait3A_134 = arith.constant 0 : i32
      %dma_wait3A_135 = tpu.memref_slice %arg8[%run_scoped3A, %dma_wait3A_134] : memref<125x80xi32, #tpu.memory_space<vmem>> -> memref<1x80xi32, #tpu.memory_space<vmem>>
      %dma_wait3A_136 = tpu.memref_squeeze %dma_wait3A_135 : memref<1x80xi32, #tpu.memory_space<vmem>> -> memref<80xi32, #tpu.memory_space<vmem>>
      %dma_wait3A_137 = arith.constant 0 : i32
      %dma_wait3A_138 = arith.constant 0 : i32
      %dma_wait3A_139 = tpu.memref_slice %arg12[%dma_wait3A_137, %dma_wait3A_138] : memref<10000x128xf32, #tpu.memory_space<vmem_shared>> -> memref<10000x128xf32, #tpu.memory_space<vmem_shared>>
      tpu.wait_indirect_dma semaphore(%run_scoped3A_127 : memref<!tpu.dma_semaphore, #tpu.memory_space<semaphore_mem>>) src(%arg9 : memref<80x128xf32, #tpu.memory_space<vmem>>) dst(%dma_wait3A_139 : memref<10000x128xf32, #tpu.memory_space<vmem_shared>>)
      tpu.yield
    }) : () -> ()
    %dma_start3A_76 = arith.constant 123 : i32
    %dma_start3A_77 = arith.constant 0 : i32
    %dma_start3A_78 = tpu.memref_slice %arg7[%dma_start3A_76, %dma_start3A_77] : memref<125x80xi32, #tpu.memory_space<vmem>> -> memref<1x80xi32, #tpu.memory_space<vmem>>
    %dma_start3A_79 = tpu.memref_squeeze %dma_start3A_78 : memref<1x80xi32, #tpu.memory_space<vmem>> -> memref<80xi32, #tpu.memory_space<vmem>>
    %dma_start3A_80 = arith.constant 0 : i32
    %dma_start3A_81 = arith.constant 0 : i32
    %dma_start3A_82 = tpu.memref_slice %arg2[%dma_start3A_80, %dma_start3A_81] : memref<10000x128xf32, #tpu.memory_space<hbm>> -> memref<10000x128xf32, #tpu.memory_space<hbm>>
    tpu.enqueue_indirect_dma source(%dma_start3A_82 : memref<10000x128xf32, #tpu.memory_space<hbm>>) target(%arg9 : memref<80x128xf32, #tpu.memory_space<vmem>>) offsets(%dma_start3A_79 : memref<80xi32, #tpu.memory_space<vmem>>) semaphore(%arg13 : memref<!tpu.dma_semaphore, #tpu.memory_space<semaphore_mem>>)
    %dma_wait3A_83 = arith.constant 121 : i32
    %dma_wait3A_84 = arith.constant 0 : i32
    %dma_wait3A_85 = tpu.memref_slice %arg7[%dma_wait3A_83, %dma_wait3A_84] : memref<125x80xi32, #tpu.memory_space<vmem>> -> memref<1x80xi32, #tpu.memory_space<vmem>>
    %dma_wait3A_86 = tpu.memref_squeeze %dma_wait3A_85 : memref<1x80xi32, #tpu.memory_space<vmem>> -> memref<80xi32, #tpu.memory_space<vmem>>
    %dma_wait3A_87 = arith.constant 0 : i32
    %dma_wait3A_88 = arith.constant 0 : i32
    %dma_wait3A_89 = tpu.memref_slice %arg2[%dma_wait3A_87, %dma_wait3A_88] : memref<10000x128xf32, #tpu.memory_space<hbm>> -> memref<10000x128xf32, #tpu.memory_space<hbm>>
    tpu.wait_indirect_dma semaphore(%arg14 : memref<!tpu.dma_semaphore, #tpu.memory_space<semaphore_mem>>) src(%dma_wait3A_89 : memref<10000x128xf32, #tpu.memory_space<hbm>>) dst(%arg10 : memref<80x128xf32, #tpu.memory_space<vmem>>)
    %run_scoped3A_90 = arith.constant 121 : i32
    "tpu.region"() ({
      %run_scoped3A_127 = tpu.sem_alloc : memref<!tpu.dma_semaphore, #tpu.memory_space<semaphore_mem>>
      %dma_start3A_128 = arith.constant 0 : i32
      %dma_start3A_129 = tpu.memref_slice %arg8[%run_scoped3A_90, %dma_start3A_128] : memref<125x80xi32, #tpu.memory_space<vmem>> -> memref<1x80xi32, #tpu.memory_space<vmem>>
      %dma_start3A_130 = tpu.memref_squeeze %dma_start3A_129 : memref<1x80xi32, #tpu.memory_space<vmem>> -> memref<80xi32, #tpu.memory_space<vmem>>
      %dma_start3A_131 = arith.constant 0 : i32
      %dma_start3A_132 = arith.constant 0 : i32
      %dma_start3A_133 = tpu.memref_slice %arg12[%dma_start3A_131, %dma_start3A_132] : memref<10000x128xf32, #tpu.memory_space<vmem_shared>> -> memref<10000x128xf32, #tpu.memory_space<vmem_shared>>
      tpu.enqueue_indirect_dma source(%arg10 : memref<80x128xf32, #tpu.memory_space<vmem>>) target(%dma_start3A_133 : memref<10000x128xf32, #tpu.memory_space<vmem_shared>>) offsets(%dma_start3A_130 : memref<80xi32, #tpu.memory_space<vmem>>) semaphore(%run_scoped3A_127 : memref<!tpu.dma_semaphore, #tpu.memory_space<semaphore_mem>>) {add = true}
      %dma_wait3A_134 = arith.constant 0 : i32
      %dma_wait3A_135 = tpu.memref_slice %arg8[%run_scoped3A_90, %dma_wait3A_134] : memref<125x80xi32, #tpu.memory_space<vmem>> -> memref<1x80xi32, #tpu.memory_space<vmem>>
      %dma_wait3A_136 = tpu.memref_squeeze %dma_wait3A_135 : memref<1x80xi32, #tpu.memory_space<vmem>> -> memref<80xi32, #tpu.memory_space<vmem>>
      %dma_wait3A_137 = arith.constant 0 : i32
      %dma_wait3A_138 = arith.constant 0 : i32
      %dma_wait3A_139 = tpu.memref_slice %arg12[%dma_wait3A_137, %dma_wait3A_138] : memref<10000x128xf32, #tpu.memory_space<vmem_shared>> -> memref<10000x128xf32, #tpu.memory_space<vmem_shared>>
      tpu.wait_indirect_dma semaphore(%run_scoped3A_127 : memref<!tpu.dma_semaphore, #tpu.memory_space<semaphore_mem>>) src(%arg10 : memref<80x128xf32, #tpu.memory_space<vmem>>) dst(%dma_wait3A_139 : memref<10000x128xf32, #tpu.memory_space<vmem_shared>>)
      tpu.yield
    }) : () -> ()
    %dma_start3A_91 = arith.constant 124 : i32
    %dma_start3A_92 = arith.constant 0 : i32
    %dma_start3A_93 = tpu.memref_slice %arg7[%dma_start3A_91, %dma_start3A_92] : memref<125x80xi32, #tpu.memory_space<vmem>> -> memref<1x80xi32, #tpu.memory_space<vmem>>
    %dma_start3A_94 = tpu.memref_squeeze %dma_start3A_93 : memref<1x80xi32, #tpu.memory_space<vmem>> -> memref<80xi32, #tpu.memory_space<vmem>>
    %dma_start3A_95 = arith.constant 0 : i32
    %dma_start3A_96 = arith.constant 0 : i32
    %dma_start3A_97 = tpu.memref_slice %arg2[%dma_start3A_95, %dma_start3A_96] : memref<10000x128xf32, #tpu.memory_space<hbm>> -> memref<10000x128xf32, #tpu.memory_space<hbm>>
    tpu.enqueue_indirect_dma source(%dma_start3A_97 : memref<10000x128xf32, #tpu.memory_space<hbm>>) target(%arg10 : memref<80x128xf32, #tpu.memory_space<vmem>>) offsets(%dma_start3A_94 : memref<80xi32, #tpu.memory_space<vmem>>) semaphore(%arg14 : memref<!tpu.dma_semaphore, #tpu.memory_space<semaphore_mem>>)
    %dma_wait3A_98 = arith.constant 122 : i32
    %dma_wait3A_99 = arith.constant 0 : i32
    %dma_wait3A_100 = tpu.memref_slice %arg7[%dma_wait3A_98, %dma_wait3A_99] : memref<125x80xi32, #tpu.memory_space<vmem>> -> memref<1x80xi32, #tpu.memory_space<vmem>>
    %dma_wait3A_101 = tpu.memref_squeeze %dma_wait3A_100 : memref<1x80xi32, #tpu.memory_space<vmem>> -> memref<80xi32, #tpu.memory_space<vmem>>
    %dma_wait3A_102 = arith.constant 0 : i32
    %dma_wait3A_103 = arith.constant 0 : i32
    %dma_wait3A_104 = tpu.memref_slice %arg2[%dma_wait3A_102, %dma_wait3A_103] : memref<10000x128xf32, #tpu.memory_space<hbm>> -> memref<10000x128xf32, #tpu.memory_space<hbm>>
    tpu.wait_indirect_dma semaphore(%arg15 : memref<!tpu.dma_semaphore, #tpu.memory_space<semaphore_mem>>) src(%dma_wait3A_104 : memref<10000x128xf32, #tpu.memory_space<hbm>>) dst(%arg11 : memref<80x128xf32, #tpu.memory_space<vmem>>)
    %run_scoped3A_105 = arith.constant 122 : i32
    "tpu.region"() ({
      %run_scoped3A_127 = tpu.sem_alloc : memref<!tpu.dma_semaphore, #tpu.memory_space<semaphore_mem>>
      %dma_start3A_128 = arith.constant 0 : i32
      %dma_start3A_129 = tpu.memref_slice %arg8[%run_scoped3A_105, %dma_start3A_128] : memref<125x80xi32, #tpu.memory_space<vmem>> -> memref<1x80xi32, #tpu.memory_space<vmem>>
      %dma_start3A_130 = tpu.memref_squeeze %dma_start3A_129 : memref<1x80xi32, #tpu.memory_space<vmem>> -> memref<80xi32, #tpu.memory_space<vmem>>
      %dma_start3A_131 = arith.constant 0 : i32
      %dma_start3A_132 = arith.constant 0 : i32
      %dma_start3A_133 = tpu.memref_slice %arg12[%dma_start3A_131, %dma_start3A_132] : memref<10000x128xf32, #tpu.memory_space<vmem_shared>> -> memref<10000x128xf32, #tpu.memory_space<vmem_shared>>
      tpu.enqueue_indirect_dma source(%arg11 : memref<80x128xf32, #tpu.memory_space<vmem>>) target(%dma_start3A_133 : memref<10000x128xf32, #tpu.memory_space<vmem_shared>>) offsets(%dma_start3A_130 : memref<80xi32, #tpu.memory_space<vmem>>) semaphore(%run_scoped3A_127 : memref<!tpu.dma_semaphore, #tpu.memory_space<semaphore_mem>>) {add = true}
      %dma_wait3A_134 = arith.constant 0 : i32
      %dma_wait3A_135 = tpu.memref_slice %arg8[%run_scoped3A_105, %dma_wait3A_134] : memref<125x80xi32, #tpu.memory_space<vmem>> -> memref<1x80xi32, #tpu.memory_space<vmem>>
      %dma_wait3A_136 = tpu.memref_squeeze %dma_wait3A_135 : memref<1x80xi32, #tpu.memory_space<vmem>> -> memref<80xi32, #tpu.memory_space<vmem>>
      %dma_wait3A_137 = arith.constant 0 : i32
      %dma_wait3A_138 = arith.constant 0 : i32
      %dma_wait3A_139 = tpu.memref_slice %arg12[%dma_wait3A_137, %dma_wait3A_138] : memref<10000x128xf32, #tpu.memory_space<vmem_shared>> -> memref<10000x128xf32, #tpu.memory_space<vmem_shared>>
      tpu.wait_indirect_dma semaphore(%run_scoped3A_127 : memref<!tpu.dma_semaphore, #tpu.memory_space<semaphore_mem>>) src(%arg11 : memref<80x128xf32, #tpu.memory_space<vmem>>) dst(%dma_wait3A_139 : memref<10000x128xf32, #tpu.memory_space<vmem_shared>>)
      tpu.yield
    }) : () -> ()
    %dma_wait3A_106 = arith.constant 123 : i32
    %dma_wait3A_107 = arith.constant 0 : i32
    %dma_wait3A_108 = tpu.memref_slice %arg7[%dma_wait3A_106, %dma_wait3A_107] : memref<125x80xi32, #tpu.memory_space<vmem>> -> memref<1x80xi32, #tpu.memory_space<vmem>>
    %dma_wait3A_109 = tpu.memref_squeeze %dma_wait3A_108 : memref<1x80xi32, #tpu.memory_space<vmem>> -> memref<80xi32, #tpu.memory_space<vmem>>
    %dma_wait3A_110 = arith.constant 0 : i32
    %dma_wait3A_111 = arith.constant 0 : i32
    %dma_wait3A_112 = tpu.memref_slice %arg2[%dma_wait3A_110, %dma_wait3A_111] : memref<10000x128xf32, #tpu.memory_space<hbm>> -> memref<10000x128xf32, #tpu.memory_space<hbm>>
    tpu.wait_indirect_dma semaphore(%arg13 : memref<!tpu.dma_semaphore, #tpu.memory_space<semaphore_mem>>) src(%dma_wait3A_112 : memref<10000x128xf32, #tpu.memory_space<hbm>>) dst(%arg9 : memref<80x128xf32, #tpu.memory_space<vmem>>)
    %run_scoped3A_113 = arith.constant 123 : i32
    "tpu.region"() ({
      %run_scoped3A_127 = tpu.sem_alloc : memref<!tpu.dma_semaphore, #tpu.memory_space<semaphore_mem>>
      %dma_start3A_128 = arith.constant 0 : i32
      %dma_start3A_129 = tpu.memref_slice %arg8[%run_scoped3A_113, %dma_start3A_128] : memref<125x80xi32, #tpu.memory_space<vmem>> -> memref<1x80xi32, #tpu.memory_space<vmem>>
      %dma_start3A_130 = tpu.memref_squeeze %dma_start3A_129 : memref<1x80xi32, #tpu.memory_space<vmem>> -> memref<80xi32, #tpu.memory_space<vmem>>
      %dma_start3A_131 = arith.constant 0 : i32
      %dma_start3A_132 = arith.constant 0 : i32
      %dma_start3A_133 = tpu.memref_slice %arg12[%dma_start3A_131, %dma_start3A_132] : memref<10000x128xf32, #tpu.memory_space<vmem_shared>> -> memref<10000x128xf32, #tpu.memory_space<vmem_shared>>
      tpu.enqueue_indirect_dma source(%arg9 : memref<80x128xf32, #tpu.memory_space<vmem>>) target(%dma_start3A_133 : memref<10000x128xf32, #tpu.memory_space<vmem_shared>>) offsets(%dma_start3A_130 : memref<80xi32, #tpu.memory_space<vmem>>) semaphore(%run_scoped3A_127 : memref<!tpu.dma_semaphore, #tpu.memory_space<semaphore_mem>>) {add = true}
      %dma_wait3A_134 = arith.constant 0 : i32
      %dma_wait3A_135 = tpu.memref_slice %arg8[%run_scoped3A_113, %dma_wait3A_134] : memref<125x80xi32, #tpu.memory_space<vmem>> -> memref<1x80xi32, #tpu.memory_space<vmem>>
      %dma_wait3A_136 = tpu.memref_squeeze %dma_wait3A_135 : memref<1x80xi32, #tpu.memory_space<vmem>> -> memref<80xi32, #tpu.memory_space<vmem>>
      %dma_wait3A_137 = arith.constant 0 : i32
      %dma_wait3A_138 = arith.constant 0 : i32
      %dma_wait3A_139 = tpu.memref_slice %arg12[%dma_wait3A_137, %dma_wait3A_138] : memref<10000x128xf32, #tpu.memory_space<vmem_shared>> -> memref<10000x128xf32, #tpu.memory_space<vmem_shared>>
      tpu.wait_indirect_dma semaphore(%run_scoped3A_127 : memref<!tpu.dma_semaphore, #tpu.memory_space<semaphore_mem>>) src(%arg9 : memref<80x128xf32, #tpu.memory_space<vmem>>) dst(%dma_wait3A_139 : memref<10000x128xf32, #tpu.memory_space<vmem_shared>>)
      tpu.yield
    }) : () -> ()
    %dma_wait3A_114 = arith.constant 124 : i32
    %dma_wait3A_115 = arith.constant 0 : i32
    %dma_wait3A_116 = tpu.memref_slice %arg7[%dma_wait3A_114, %dma_wait3A_115] : memref<125x80xi32, #tpu.memory_space<vmem>> -> memref<1x80xi32, #tpu.memory_space<vmem>>
    %dma_wait3A_117 = tpu.memref_squeeze %dma_wait3A_116 : memref<1x80xi32, #tpu.memory_space<vmem>> -> memref<80xi32, #tpu.memory_space<vmem>>
    %dma_wait3A_118 = arith.constant 0 : i32
    %dma_wait3A_119 = arith.constant 0 : i32
    %dma_wait3A_120 = tpu.memref_slice %arg2[%dma_wait3A_118, %dma_wait3A_119] : memref<10000x128xf32, #tpu.memory_space<hbm>> -> memref<10000x128xf32, #tpu.memory_space<hbm>>
    tpu.wait_indirect_dma semaphore(%arg14 : memref<!tpu.dma_semaphore, #tpu.memory_space<semaphore_mem>>) src(%dma_wait3A_120 : memref<10000x128xf32, #tpu.memory_space<hbm>>) dst(%arg10 : memref<80x128xf32, #tpu.memory_space<vmem>>)
    %run_scoped3A_121 = arith.constant 124 : i32
    "tpu.region"() ({
      %run_scoped3A_127 = tpu.sem_alloc : memref<!tpu.dma_semaphore, #tpu.memory_space<semaphore_mem>>
      %dma_start3A_128 = arith.constant 0 : i32
      %dma_start3A_129 = tpu.memref_slice %arg8[%run_scoped3A_121, %dma_start3A_128] : memref<125x80xi32, #tpu.memory_space<vmem>> -> memref<1x80xi32, #tpu.memory_space<vmem>>
      %dma_start3A_130 = tpu.memref_squeeze %dma_start3A_129 : memref<1x80xi32, #tpu.memory_space<vmem>> -> memref<80xi32, #tpu.memory_space<vmem>>
      %dma_start3A_131 = arith.constant 0 : i32
      %dma_start3A_132 = arith.constant 0 : i32
      %dma_start3A_133 = tpu.memref_slice %arg12[%dma_start3A_131, %dma_start3A_132] : memref<10000x128xf32, #tpu.memory_space<vmem_shared>> -> memref<10000x128xf32, #tpu.memory_space<vmem_shared>>
      tpu.enqueue_indirect_dma source(%arg10 : memref<80x128xf32, #tpu.memory_space<vmem>>) target(%dma_start3A_133 : memref<10000x128xf32, #tpu.memory_space<vmem_shared>>) offsets(%dma_start3A_130 : memref<80xi32, #tpu.memory_space<vmem>>) semaphore(%run_scoped3A_127 : memref<!tpu.dma_semaphore, #tpu.memory_space<semaphore_mem>>) {add = true}
      %dma_wait3A_134 = arith.constant 0 : i32
      %dma_wait3A_135 = tpu.memref_slice %arg8[%run_scoped3A_121, %dma_wait3A_134] : memref<125x80xi32, #tpu.memory_space<vmem>> -> memref<1x80xi32, #tpu.memory_space<vmem>>
      %dma_wait3A_136 = tpu.memref_squeeze %dma_wait3A_135 : memref<1x80xi32, #tpu.memory_space<vmem>> -> memref<80xi32, #tpu.memory_space<vmem>>
      %dma_wait3A_137 = arith.constant 0 : i32
      %dma_wait3A_138 = arith.constant 0 : i32
      %dma_wait3A_139 = tpu.memref_slice %arg12[%dma_wait3A_137, %dma_wait3A_138] : memref<10000x128xf32, #tpu.memory_space<vmem_shared>> -> memref<10000x128xf32, #tpu.memory_space<vmem_shared>>
      tpu.wait_indirect_dma semaphore(%run_scoped3A_127 : memref<!tpu.dma_semaphore, #tpu.memory_space<semaphore_mem>>) src(%arg10 : memref<80x128xf32, #tpu.memory_space<vmem>>) dst(%dma_wait3A_139 : memref<10000x128xf32, #tpu.memory_space<vmem_shared>>)
      tpu.yield
    }) : () -> ()
    %barrier3A_122 = arith.constant 0 : index
    tpu.barrier barrier_id(%barrier3A_122)
    %mul3A_123 = arith.constant 625 : i32
    %mul3A_124 = arith.muli %arg1, %mul3A_123 : i32
    %mul3A_125 = arith.constant 625 : i32
    %mul3A_126 = arith.muli %arg1, %mul3A_125 : i32
    "tpu.region"() ({
      %run_scoped3A_127 = tpu.sem_alloc : memref<!tpu.dma_semaphore, #tpu.memory_space<semaphore_mem>>
      %dma_start3A_128 = arith.constant 0 : i32
      %dma_start3A_129 = tpu.memref_slice %arg6[%arg0, %mul3A_126, %dma_start3A_128] : memref<2x10000x128xf32, #tpu.memory_space<hbm>> -> memref<1x625x128xf32, #tpu.memory_space<hbm>>
      %dma_start3A_130 = tpu.memref_squeeze %dma_start3A_129 : memref<1x625x128xf32, #tpu.memory_space<hbm>> -> memref<625x128xf32, #tpu.memory_space<hbm>>
      %dma_start3A_131 = arith.constant 0 : i32
      %dma_start3A_132 = tpu.memref_slice %arg12[%mul3A_124, %dma_start3A_131] : memref<10000x128xf32, #tpu.memory_space<vmem_shared>> -> memref<625x128xf32, #tpu.memory_space<vmem_shared>>
      tpu.enqueue_dma source(%dma_start3A_132 : memref<625x128xf32, #tpu.memory_space<vmem_shared>>) target(%dma_start3A_130 : memref<625x128xf32, #tpu.memory_space<hbm>>) target_semaphore(%run_scoped3A_127 : memref<!tpu.dma_semaphore, #tpu.memory_space<semaphore_mem>>)
      %dma_wait3A_133 = arith.constant 0 : i32
      %dma_wait3A_134 = tpu.memref_slice %arg6[%arg0, %mul3A_126, %dma_wait3A_133] : memref<2x10000x128xf32, #tpu.memory_space<hbm>> -> memref<1x625x128xf32, #tpu.memory_space<hbm>>
      %dma_wait3A_135 = tpu.memref_squeeze %dma_wait3A_134 : memref<1x625x128xf32, #tpu.memory_space<hbm>> -> memref<625x128xf32, #tpu.memory_space<hbm>>
      %dma_wait3A_136 = arith.constant 0 : i32
      %dma_wait3A_137 = tpu.memref_slice %arg12[%mul3A_124, %dma_wait3A_136] : memref<10000x128xf32, #tpu.memory_space<vmem_shared>> -> memref<625x128xf32, #tpu.memory_space<vmem_shared>>
      tpu.wait_dma2 semaphore(%run_scoped3A_127 : memref<!tpu.dma_semaphore, #tpu.memory_space<semaphore_mem>>) src(%dma_wait3A_137 : memref<625x128xf32, #tpu.memory_space<vmem_shared>>) dst(%dma_wait3A_135 : memref<625x128xf32, #tpu.memory_space<hbm>>)
      tpu.yield
    }) : () -> ()
    return
  }
}

module attributes {stable_mosaic.version = 14 : i64} {
  func.func @_tc1_body(%arg0: memref<32x2x10000xf32, #tpu.memory_space<vmem>>, %arg1: memref<10000x128xf32, #tpu.memory_space<vmem>>, %arg2: memref<128x128xf32, #tpu.memory_space<vmem>>, %arg3: memref<10000x128xf32, #tpu.memory_space<vmem>>, %arg4: memref<2x10000xf32, #tpu.memory_space<vmem>>) attributes {dimension_semantics = [], scalar_prefetch = 0 : i64, scratch_operands = 0 : i64, tpu.core_type = #tpu.core_type<tc>} {
    %get3A = arith.constant 0 : index
    %get3A_0 = arith.constant 0 : index
    %get3A_1 = arith.constant 0 : index
    %get3A_2 = vector.load %arg0[%get3A, %get3A_0, %get3A_1] : memref<32x2x10000xf32, #tpu.memory_space<vmem>>, vector<32x2x10000xf32>
    %reduce_sum3A = arith.constant dense<0.000000e+00> : vector<2x10000xf32>
    %reduce_sum3A_3 = vector.multi_reduction <add>, %get3A_2, %reduce_sum3A [0] : vector<32x2x10000xf32> to vector<2x10000xf32>
    %gt3A = arith.constant 0.000000e+00 : f32
    %gt3A_4 = vector.broadcast %gt3A : f32 to vector<2x10000xf32>
    %gt3A_5 = arith.cmpf ogt, %reduce_sum3A_3, %gt3A_4 : vector<2x10000xf32>
    %max3A = arith.constant 1.000000e+00 : f32
    %max3A_6 = vector.broadcast %max3A : f32 to vector<2x10000xf32>
    %max3A_7 = arith.maximumf %reduce_sum3A_3, %max3A_6 : vector<2x10000xf32>
    %rsqrt3A = math.rsqrt %max3A_7 : vector<2x10000xf32>
    %jit3A = arith.constant 0.000000e+00 : f32
    %broadcast_in_dim3A = vector.broadcast %jit3A : f32 to vector<2x10000xf32>
    %select_n3A = arith.select %gt3A_5, %rsqrt3A, %broadcast_in_dim3A : vector<2x10000xi1>, vector<2x10000xf32>
    %swap3A = arith.constant 0 : index
    %swap3A_8 = arith.constant 0 : index
    %swap3A_9 = vector.load %arg4[%swap3A, %swap3A_8] : memref<2x10000xf32, #tpu.memory_space<vmem>>, vector<2x10000xf32>
    tpu.vector_store %arg4[%swap3A, %swap3A_8], %select_n3A {strides = array<i32>} : memref<2x10000xf32, #tpu.memory_space<vmem>>, vector<2x10000xf32>,
    %get3A_10 = arith.constant 0 : index
    %get3A_11 = arith.constant 0 : index
    %get3A_12 = vector.load %arg1[%get3A_10, %get3A_11] : memref<10000x128xf32, #tpu.memory_space<vmem>>, vector<10000x128xf32>
    %get3A_13 = arith.constant 0 : index
    %get3A_14 = arith.constant 0 : index
    %get3A_15 = vector.load %arg2[%get3A_13, %get3A_14] : memref<128x128xf32, #tpu.memory_space<vmem>>, vector<128x128xf32>
    %dot_general3A = arith.constant dense<0.000000e+00> : vector<10000x128xf32>
    %dot_general3A_16 = tpu.matmul %get3A_12, %get3A_15, %dot_general3A {dimension_numbers = #tpu.dot_dimension_numbers<[1], [0], [0], [1], [0, 0, 1, 1], [], []>, transpose_lhs_hint = false} : vector<10000x128xf32>, vector<128x128xf32>, vector<10000x128xf32> -> vector<10000x128xf32>
    %slice3A = vector.extract_strided_slice %select_n3A {offsets = [0, 0], sizes = [1, 10000], strides = [1, 1]} : vector<2x10000xf32> to vector<1x10000xf32>
    %squeeze3A = vector.shape_cast %slice3A : vector<1x10000xf32> to vector<10000xf32>
    %broadcast_in_dim3A_17 = vector.shape_cast %squeeze3A : vector<10000xf32> to vector<10000x1xf32>
    %mul3A = vector.broadcast %broadcast_in_dim3A_17 : vector<10000x1xf32> to vector<10000x128xf32>
    %mul3A_18 = arith.mulf %dot_general3A_16, %mul3A : vector<10000x128xf32>
    %swap3A_19 = arith.constant 0 : index
    %swap3A_20 = arith.constant 0 : index
    %swap3A_21 = vector.load %arg3[%swap3A_19, %swap3A_20] : memref<10000x128xf32, #tpu.memory_space<vmem>>, vector<10000x128xf32>
    tpu.vector_store %arg3[%swap3A_19, %swap3A_20], %mul3A_18 {strides = array<i32>} : memref<10000x128xf32, #tpu.memory_space<vmem>>, vector<10000x128xf32>,
    return
  }
}

module attributes {stable_mosaic.version = 14 : i64} {
  func.func @_tc2_body(%arg0: memref<2x10000x128xf32, #tpu.memory_space<vmem>>, %arg1: memref<2x10000xf32, #tpu.memory_space<vmem>>, %arg2: memref<1x128xf32, #tpu.memory_space<vmem>>, %arg3: memref<128x64xf32, #tpu.memory_space<vmem>>, %arg4: memref<10000x64xf32, #tpu.memory_space<vmem>>) attributes {dimension_semantics = [], scalar_prefetch = 0 : i64, scratch_operands = 0 : i64, tpu.core_type = #tpu.core_type<tc>} {
    %get3A = arith.constant 0 : index
    %get3A_0 = arith.constant 0 : index
    %get3A_1 = arith.constant 0 : index
    %get3A_2 = vector.load %arg0[%get3A, %get3A_0, %get3A_1] : memref<2x10000x128xf32, #tpu.memory_space<vmem>>, vector<1x10000x128xf32>
    %get3A_3 = vector.shape_cast %get3A_2 : vector<1x10000x128xf32> to vector<10000x128xf32>
    %get3A_4 = arith.constant 1 : index
    %get3A_5 = arith.constant 0 : index
    %get3A_6 = arith.constant 0 : index
    %get3A_7 = vector.load %arg0[%get3A_4, %get3A_5, %get3A_6] : memref<2x10000x128xf32, #tpu.memory_space<vmem>>, vector<1x10000x128xf32>
    %get3A_8 = vector.shape_cast %get3A_7 : vector<1x10000x128xf32> to vector<10000x128xf32>
    %add3A = arith.addf %get3A_3, %get3A_8 : vector<10000x128xf32>
    %get3A_9 = arith.constant 1 : index
    %get3A_10 = arith.constant 0 : index
    %get3A_11 = vector.load %arg1[%get3A_9, %get3A_10] : memref<2x10000xf32, #tpu.memory_space<vmem>>, vector<1x10000xf32>
    %get3A_12 = vector.shape_cast %get3A_11 : vector<1x10000xf32> to vector<10000xf32>
    %broadcast_in_dim3A = vector.shape_cast %get3A_12 : vector<10000xf32> to vector<10000x1xf32>
    %mul3A = vector.broadcast %broadcast_in_dim3A : vector<10000x1xf32> to vector<10000x128xf32>
    %mul3A_13 = arith.mulf %add3A, %mul3A : vector<10000x128xf32>
    %get3A_14 = arith.constant 0 : index
    %get3A_15 = arith.constant 0 : index
    %get3A_16 = vector.load %arg2[%get3A_14, %get3A_15] : memref<1x128xf32, #tpu.memory_space<vmem>>, vector<1x128xf32>
    %add3A_17 = vector.broadcast %get3A_16 : vector<1x128xf32> to vector<10000x128xf32>
    %add3A_18 = arith.addf %mul3A_13, %add3A_17 : vector<10000x128xf32>
    %max3A = arith.constant 0.000000e+00 : f32
    %max3A_19 = vector.broadcast %max3A : f32 to vector<10000x128xf32>
    %max3A_20 = arith.maximumf %add3A_18, %max3A_19 : vector<10000x128xf32>
    %get3A_21 = arith.constant 0 : index
    %get3A_22 = arith.constant 0 : index
    %get3A_23 = vector.load %arg3[%get3A_21, %get3A_22] : memref<128x64xf32, #tpu.memory_space<vmem>>, vector<128x64xf32>
    %dot_general3A = arith.constant dense<0.000000e+00> : vector<10000x64xf32>
    %dot_general3A_24 = tpu.matmul %max3A_20, %get3A_23, %dot_general3A {dimension_numbers = #tpu.dot_dimension_numbers<[1], [0], [0], [1], [0, 0, 1, 1], [], []>, transpose_lhs_hint = false} : vector<10000x128xf32>, vector<128x64xf32>, vector<10000x64xf32> -> vector<10000x64xf32>
    %get3A_25 = arith.constant 0 : index
    %get3A_26 = arith.constant 0 : index
    %get3A_27 = vector.load %arg1[%get3A_25, %get3A_26] : memref<2x10000xf32, #tpu.memory_space<vmem>>, vector<1x10000xf32>
    %get3A_28 = vector.shape_cast %get3A_27 : vector<1x10000xf32> to vector<10000xf32>
    %broadcast_in_dim3A_29 = vector.shape_cast %get3A_28 : vector<10000xf32> to vector<10000x1xf32>
    %mul3A_30 = vector.broadcast %broadcast_in_dim3A_29 : vector<10000x1xf32> to vector<10000x64xf32>
    %mul3A_31 = arith.mulf %dot_general3A_24, %mul3A_30 : vector<10000x64xf32>
    %swap3A = arith.constant 0 : index
    %swap3A_32 = arith.constant 0 : index
    %swap3A_33 = vector.load %arg4[%swap3A, %swap3A_32] : memref<10000x64xf32, #tpu.memory_space<vmem>>, vector<10000x64xf32>
    tpu.vector_store %arg4[%swap3A, %swap3A_32], %mul3A_31 {strides = array<i32>} : memref<10000x64xf32, #tpu.memory_space<vmem>>, vector<10000x64xf32>,
    return
  }
}

module attributes {stable_mosaic.version = 14 : i64} {
  func.func @_tc3_body(%arg0: memref<2x10000x64xf32, #tpu.memory_space<vmem>>, %arg1: memref<2x10000xf32, #tpu.memory_space<vmem>>, %arg2: memref<1x64xf32, #tpu.memory_space<vmem>>, %arg3: memref<10000x64xf32, #tpu.memory_space<vmem>>) attributes {dimension_semantics = [], scalar_prefetch = 0 : i64, scratch_operands = 0 : i64, tpu.core_type = #tpu.core_type<tc>} {
    %get3A = arith.constant 0 : index
    %get3A_0 = arith.constant 0 : index
    %get3A_1 = arith.constant 0 : index
    %get3A_2 = vector.load %arg0[%get3A, %get3A_0, %get3A_1] : memref<2x10000x64xf32, #tpu.memory_space<vmem>>, vector<1x10000x64xf32>
    %get3A_3 = vector.shape_cast %get3A_2 : vector<1x10000x64xf32> to vector<10000x64xf32>
    %get3A_4 = arith.constant 1 : index
    %get3A_5 = arith.constant 0 : index
    %get3A_6 = arith.constant 0 : index
    %get3A_7 = vector.load %arg0[%get3A_4, %get3A_5, %get3A_6] : memref<2x10000x64xf32, #tpu.memory_space<vmem>>, vector<1x10000x64xf32>
    %get3A_8 = vector.shape_cast %get3A_7 : vector<1x10000x64xf32> to vector<10000x64xf32>
    %add3A = arith.addf %get3A_3, %get3A_8 : vector<10000x64xf32>
    %get3A_9 = arith.constant 1 : index
    %get3A_10 = arith.constant 0 : index
    %get3A_11 = vector.load %arg1[%get3A_9, %get3A_10] : memref<2x10000xf32, #tpu.memory_space<vmem>>, vector<1x10000xf32>
    %get3A_12 = vector.shape_cast %get3A_11 : vector<1x10000xf32> to vector<10000xf32>
    %broadcast_in_dim3A = vector.shape_cast %get3A_12 : vector<10000xf32> to vector<10000x1xf32>
    %mul3A = vector.broadcast %broadcast_in_dim3A : vector<10000x1xf32> to vector<10000x64xf32>
    %mul3A_13 = arith.mulf %add3A, %mul3A : vector<10000x64xf32>
    %get3A_14 = arith.constant 0 : index
    %get3A_15 = arith.constant 0 : index
    %get3A_16 = vector.load %arg2[%get3A_14, %get3A_15] : memref<1x64xf32, #tpu.memory_space<vmem>>, vector<1x64xf32>
    %add3A_17 = vector.broadcast %get3A_16 : vector<1x64xf32> to vector<10000x64xf32>
    %add3A_18 = arith.addf %mul3A_13, %add3A_17 : vector<10000x64xf32>
    %swap3A = arith.constant 0 : index
    %swap3A_19 = arith.constant 0 : index
    %swap3A_20 = vector.load %arg3[%swap3A, %swap3A_19] : memref<10000x64xf32, #tpu.memory_space<vmem>>, vector<10000x64xf32>
    tpu.vector_store %arg3[%swap3A, %swap3A_19], %add3A_18 {strides = array<i32>} : memref<10000x64xf32, #tpu.memory_space<vmem>>, vector<10000x64xf32>,
    return
  }
}

</mosaic_0001>

<sc_bundles>
// kernel: _run.11.cloned.1.call-start
scs
__scs_entry_jumppad:
0x0: {  	(pc) =	sbr.rel $0x88, $3  }
0x1: {  	(tag) =	ssettag $0x0;
	lr =	simm.s32 $0x1  }
0x2: {  	[smem:$0x3F9B] =	sst lr;
	_ =	strace $0xD0000000  }
0x3: {  	_ = 	snop  }
0x4: {  	_ = 	snop  }
0x5: {  	_ = 	snop  }
0x6: {  	_ = 	snop  }
0x7: {  	_ = 	snop  }
__scs_overlays_trampoline_lowered:
0x8: {  	[smem:$0x3FAA] =	sst s0  }
0x9: {  	[smem:$0x3FAB] =	sst s1  }
0xa: {  	[smem:$0x3FAC] =	sst s2  }
0xb: {  	[smem:$0x3FAD] =	sst s3  }
0xc: {  	[smem:$0x3FAE] =	sst s4  }
0xd: {  	[smem:$0x3FAF] =	sst s5  }
0xe: {  	[smem:$0x3FB0] =	sst s6  }
0xf: {  	[smem:$0x3FB1] =	sst s7  }
0x10: {  	[smem:$0x3FB2] =	sst s8  }
0x11: {  	[smem:$0x3FB3] =	sst s9;
	s0 =	simm.s32 @!p0 $0x0  }
0x12: {  	s1 =	sld [smem:$0x3F99];
	s0 =	simm.s32 @p0 $0x1  }
0x13: {  	[smem:$0x3FB4] =	sst s0;
	s0 =	simm.s32 @!p1 $0x0  }
0x14: {  	s2 =	sld [smem:$0x3F98];
	s0 =	simm.s32 @p1 $0x1  }
0x15: {  	[smem:$0x3FB5] =	sst s0;
	s0 =	simm.s32 @!p2 $0x0  }
0x16: {  	s3 =	sld [smem:$0x3FDB];
	s0 =	simm.s32 @p2 $0x1  }
0x17: {  	s4 =	simm.s32 $0x1BF5;
	[smem:$0x3FB7] =	sst s0  }
0x18: {  	s0 =	sld [smem:$0x3F9A];
	_ =	swait.ge [sflag:s4], $0x0  }
0x19: {  	s7 =	sld [smem:$0x3F9B]  }
0x1a: {  	s8 =	sadd.s32 $0xFFFFE003, lr  }
0x1b: {  	s9 =	sadd.s32 $0xFFFFFEF7, lr;
	s5 =	simm.s32 $0xFFFFFFFF;
	p2 =	slt.u32 s8, $0xFFFFF086  }
0x1c: {  	p1 =	slt.u32 s9, $0xF7A;
	s5 =	simm.s32 @!p2 $0x0  }
0x1d: {  	s5 =	simm.s32 @p1 $0x1;
	p0 =	seq.s32 s7, s2  }
0x1e: {  	s7 =	smul.u32 @!p0 $0xF7A, s2;
	p2 =	seq.s32 @!p0 s5, $0x0  }
0x1f: {  	s9 =	smul.u32 $0xF7A, s1;
	s8 =	simm.s32 @!p0 $0x1BF5;
	p2 =	por !p2, p0  }
0x20: {  	[sflag:s8] =	ssyncset.s32 @!p0 $0xFFFFF086;
	s6 =	sadd.s32 @!p0 s3, s7;
	s7 =	simm.s32 @!p0 $0x108  }
0x21: {  	s3 =	sadd.s32 s3, s9;
	s6 =	sadd.s32 @!p0 $0x88, s6;
	s7 =	simm.s32 @p2 $0x1082  }
0x22: {  	[simem:s7], [sflag:s8] =	dma.local @!p0 [hbm:s6], $0xF7A  }
0x23: {  	s9 =	sor.u32 $0xD0000000, s2;
	s6 =	simm.s32 $0x108;
	_ =	swait.ge @!p0 [sflag:s8], $0x0  }
0x24: {  	s3 =	sadd.s32 $0x88, s3;
	s6 =	simm.s32 @!p1 $0x1082;
	[sflag:s4] =	ssyncset.s32 $0xFFFFF086  }
0x25: {  	[simem:s6], [sflag:s4] =	dma.local [hbm:s3], $0xF7A  }
0x26: {  	[smem:$0x3F9B] =	sst s1;
	(tag) =	ssettag s2;
	_ =	strace s9  }
0x27: {  	s1 =	sld [smem:$0x3FAB]  }
0x28: {  	s2 =	sld [smem:$0x3FAC]  }
0x29: {  	s4 =	sld [smem:$0x3FAE]  }
0x2a: {  	p0 =	seq.s32 s5, $0x0;
	s5 =	sld [smem:$0x3FAF]  }
0x2b: {  	s6 =	sld [smem:$0x3FB0]  }
0x2c: {  	s7 =	sld [smem:$0x3FB1]  }
0x2d: {  	s3 =	simm.s32 $0x108;
	s8 =	sld [smem:$0x3FB2]  }
0x2e: {  	s3 =	simm.s32 @!p0 $0x1082;
	s9 =	sld [smem:$0x3FB3]  }
0x2f: {  	lr =	sadd.s32 s0, s3;
	s0 =	sld [smem:$0x3FAA]  }
0x30: {  	s3 =	sld [smem:$0x3FAD]  }
0x31: {  	[smem:$0x3FB6] =	sst s10  }
0x32: {  	s10 =	sld [smem:$0x3FB4];
	_ =	sdelay $0x3  }
0x33: {  	p0 =	seq.s32 s10, $0x1;
	s10 =	sld [smem:$0x3FB6];
	_ =	sdelay $0x3  }
0x34: {  	[smem:$0x3FB6] =	sst s10  }
0x35: {  	s10 =	sld [smem:$0x3FB5];
	_ =	sdelay $0x3  }
0x36: {  	p1 =	seq.s32 s10, $0x1;
	s10 =	sld [smem:$0x3FB6];
	_ =	sdelay $0x3  }
0x37: {  	[smem:$0x3FB6] =	sst s10  }
0x38: {  	s10 =	sld [smem:$0x3FB7]  }
0x39: {  	_ = 	snop;
	(pc) =	sbr.ind lr, $3  }
0x3a: {  	_ = 	snop  }
0x3b: {  	_ = 	snop  }
0x3c: {  	p2 =	seq.s32 s10, $0x1;
	s10 =	sld [smem:$0x3FB6]  }
0x3d: {  	_ =	shalt  }
0x3e: {  	_ =	shalt  }
0x3f: {  	_ =	shalt  }
0x40: {  	_ =	shalt  }
0x41: {  	_ =	shalt  }
0x42: {  	_ =	shalt  }
0x43: {  	_ =	shalt  }
0x44: {  	_ =	shalt  }
0x45: {  	_ =	shalt  }
0x46: {  	_ =	shalt  }
0x47: {  	_ =	shalt  }
0x48: {  	_ =	shalt  }
0x49: {  	_ =	shalt  }
0x4a: {  	_ =	shalt  }
0x4b: {  	_ =	shalt  }
0x4c: {  	_ =	shalt  }
0x4d: {  	_ =	shalt  }
0x4e: {  	_ =	shalt  }
0x4f: {  	_ =	shalt  }
0x50: {  	_ =	shalt  }
0x51: {  	_ =	shalt  }
0x52: {  	_ =	shalt  }
0x53: {  	_ =	shalt  }
0x54: {  	_ =	shalt  }
0x55: {  	_ =	shalt  }
0x56: {  	_ =	shalt  }
0x57: {  	_ =	shalt  }
0x58: {  	_ =	shalt  }
0x59: {  	_ =	shalt  }
0x5a: {  	_ =	shalt  }
0x5b: {  	_ =	shalt  }
0x5c: {  	_ =	shalt  }
0x5d: {  	_ =	shalt  }
0x5e: {  	_ =	shalt  }
0x5f: {  	_ =	shalt  }
0x60: {  	_ =	shalt  }
0x61: {  	_ =	shalt  }
0x62: {  	_ =	shalt  }
0x63: {  	_ =	shalt  }
0x64: {  	_ =	shalt  }
0x65: {  	_ =	shalt  }
0x66: {  	_ =	shalt  }
0x67: {  	_ =	shalt  }
0x68: {  	_ =	shalt  }
0x69: {  	_ =	shalt  }
0x6a: {  	_ =	shalt  }
0x6b: {  	_ =	shalt  }
0x6c: {  	_ =	shalt  }
0x6d: {  	_ =	shalt  }
0x6e: {  	_ =	shalt  }
0x6f: {  	_ =	shalt  }
0x70: {  	_ =	shalt  }
0x71: {  	_ =	shalt  }
0x72: {  	_ =	shalt  }
0x73: {  	_ =	shalt  }
0x74: {  	_ =	shalt  }
0x75: {  	_ =	shalt  }
0x76: {  	_ =	shalt  }
0x77: {  	_ =	shalt  }
0x78: {  	_ =	shalt  }
0x79: {  	_ =	shalt  }
0x7a: {  	_ =	shalt  }
0x7b: {  	_ =	shalt  }
0x7c: {  	_ =	shalt  }
0x7d: {  	_ =	shalt  }
0x7e: {  	_ =	shalt  }
0x7f: {  	_ =	shalt  }
0x80: {  	_ =	shalt  }
0x81: {  	_ =	shalt  }
0x82: {  	_ =	shalt  }
0x83: {  	_ =	shalt  }
0x84: {  	_ =	shalt  }
0x85: {  	_ =	shalt  }
0x86: {  	_ =	shalt  }
0x87: {  	_ =	shalt  }
.Lfunc_end0:
.L_simem_size_0:
called_computation.1_lowered:
.L_overlay_start_0:
0x88: {  	s2 =	sld [smem:$0x3FD9]  }
0x89: {  	s3 =	sld [smem:$0x3FFE];
	_ =	sdelay $0x1  }
0x8a: {  	s1 =	srdreg.scid  }
0x8b: {  	s0 =	sand.u32 $0x1, s1  }
0x8c: {  	s16 =	sshll.u32 s0, $0xA;
	s2 =	sadd.s32 s3, s2  }
0x8d: {  	s2 =	sadd.s32 s2, s16  }
0x8e: {  	[smem:$0x3FC2] =	sst s2  }
0x8f: {  	_ = 	snop  }
0x90: {  	(tm) =	ssettm $0x1  }
0x91: {  	s17 =	sld [smem:$0x3FFB];
	_ =	sdelay $0x3  }
0x92: {  	_ =	strace s17  }
0x93: {  	s2 =	sld [smem:$0x3FFC];
	_ =	sdelay $0x3  }
0x94: {  	_ =	strace s2  }
0x95: {  	s2 =	sld [smem:$0x3FFD];
	_ =	sdelay $0x3  }
0x96: {  	_ =	strace s2  }
0x97: {  	_ =	strace $0x8FFFFFFF  }
0x98: {  	s18 =	sld [smem:$0x3FDB];
	_ =	sdelay $0x1  }
0x99: {  	s19 =	simm.s32 $_scs_section_size  }
0x9a: {  	s4 =	simm.s32 $_size__tile_overlayer_lowered;
	s5 =	simm.s32 $_tile_overlayer_lowered  }
0x9b: {  	s22 =	simm.s32 $0x1BFF;
	s21 =	sshll.u32 s5, $0x1;
	s2 =	sadd.s32 s19, s18  }
0x9c: {  	s6 =	simm.s32 $0x0;
	s20 =	sshll.u32 s4, $0x1;
	s4 =	sadd.s32 s21, s2  }
0x9d: {  	[timem:s6], [sflag:s22] =	dma.local [hbm:s4], s20  }
0x9e: {  	_ =	swait.ge [sflag:s22], s20  }
0x9f: {  	s3 =	ssub.s32 $0x0, s20;
	[sflag:s22] =	ssyncset.done $0x0  }
0xa0: {  	[sflag:s22] =	ssyncadd.s32 s3;
	_ =	sdelay $0x1  }
0xa1: {  	s23 =	simm.s32 $0x1B8B  }
0xa2: {  	_ =	swait.ge [sflag:s23], $0x1  }
0xa3: {  	[sflag:s23] =	ssyncset.done $0x0  }
0xa4: {  	s25 =	simm.s32 $0x1B8E;
	s24 =	sld [smem:$0x3FFE];
	[sflag:s23] =	ssyncadd.s32 $0xFFFFFFFF  }
0xa5: {  	s26 =	simm.s32 $execute0_lowered;
	[smem:$0x3FD2] =	sst s25  }
0xa6: {  	s4 =	sshll.u32 s26, $0x1;
	_ =	strace $0x80000049;
	[dreg:$0x1] =	wrdreg $0xFFFFFFFF  }
0xa7: {  	s28 =	simm.s32 $_size_execute0_lowered;
	s2 =	sadd.s32 s2, s4;
	[dreg:$0x0] =	wrdreg $0x0  }
0xa8: {  	s4 =	sshll.u32 s28, $0x1;
	[dreg:$0x2] =	wrdreg s2  }
0xa9: {  	[dreg:$0x3] =	wrdreg s4  }
0xaa: {  	[dreg:$0x4] =	wrdreg $0xC0  }
0xab: {  	_ =	task [dreg:s6], $0x5FFFF  }
0xac: {  	[dreg:$0x1] =	wrdreg $0xFFFFFFFF  }
0xad: {  	[dreg:$0x0] =	wrdreg $0x60  }
0xae: {  	[dreg:$0x2] =	wrdreg s24  }
0xaf: {  	[dreg:$0x3] =	wrdreg $0xC6200  }
0xb0: {  	[dreg:$0x4] =	wrdreg $0x9  }
0xb1: {  	_ =	task.clear_ibuf [dreg:s6], $0x5FFFF;
	_ =	strace $0x90000049  }
0xb2: {  	s29 =	simm.s32 $0x9;
	_ =	strace $0x8000004B  }
0xb3: {  	_ =	swait.ge [sflag:s29], $0x1  }
0xb4: {  	[sflag:s29] =	ssyncadd.s32 $0xFFFFFFFF  }
0xb5: {  	_ =	strace $0x9000004B  }
0xb6: {  	_ =	sfence  }
0xb7: {  	s30 =	sld [smem:$0x0];
	_ =	sdelay $0x2  }
0xb8: {  	s31 =	sshll.u32 s1, $0xD;
	s1 =	sshrl.u32 s1, $0x2  }
0xb9: {  	s3 =	sand.u32 $0x4000, s31;
	s1 =	sadd.s32 s1, s30  }
0xba: {  	s0 =	sor.u32 s3, s0;
	s1 =	sshll.u32 s1, $0x11  }
0xbb: {  	s0 =	sor.u32 s1, s0  }
0xbc: {  	s0 =	sadd.s32 $0x8F2B, s0  }
0xbd: {  	[sflag:s0] =	ssyncadd.remote.s32 $0x1  }
0xbe: {  	_ =	sfence.sel $0xFFFF  }
0xbf: {  	[dreg:$0x0] =	wrdreg $0xFFFFFFFF;
	(pc) =	sbr.abs _section_cstart, $3  }
0xc0: {  	[dreg:$0x1] =	wrdreg $0xFFFFFFFF  }
0xc1: {  	_ =	task.clear_ibuf [dreg:s6], $0x2FFFF;
	_ =	strace $0x9FFFFFFF  }
0xc2: {  	(tm) =	ssettm $0x7FFFFFFF  }
0xc3: {  	_ =	shalt  }
tec
execute0_lowered:
.L_overlay_start_1:
0x0: {  	(tag) =	ssettag $0x1  }
0x1: {  	s0 =	srdreg.scid;
	s5 =	rddreg [dreg:$0x0]  }
0x2: {  	s11 =	stileid.u32;
	s2 =	rddreg [dreg:$0x1]  }
0x3: {  	s3 =	simm.s32 $0x0;
	s14 =	simm.s32 $0x1;
	s15 =	simm.s32 $0x2  }
0x4: {  	s16 =	simm.s32 $0x50;
	s17 =	simm.s32 $0x4E20;
	s18 =	simm.s32 $0x7620  }
0x5: {  	s20 =	simm.s32 $0x9E20;
	s21 =	simm.s32 $0x4;
	s22 =	simm.s32 $0x5  }
0x6: {  	s23 =	simm.s32 $0x3;
	s24 =	simm.s32 $0x4C90;
	s25 =	simm.s32 $0x2670  }
0x7: {  	s26 =	simm.s32 $0x4CE0;
	s28 =	simm.s32 $0x26C0;
	s29 =	simm.s32 $0x4D30  }
0x8: {  	s30 =	simm.s32 $0x4D80;
	s31 =	simm.s32 $0x4DD0;
	s0 =	sand.u32 $0x1, s0  }
0x9: {  	s1 =	sshll.u32 s11, $0x1;
	s6 =	smul.u32 $0x13880, s11;
	[smem:$0x7FF] =	sst s3  }
0xa: {  	s4 =	sadd.s32 $0x16000, s5;
	s1 =	sor.u32 s0, s1;
	s7 =	smul.u32 $0x138800, s0  }
0xb: {  	_ =	strace $0x8000004A;
	s0 =	ssub.s32 $0x2, s0;
	s1 =	smul.u32 $0x4E2, s1  }
0xc: {  	s8 =	sshrl.u32 s6, $0x3;
	s9 =	sshrl.u32 s0, $0x1;
	s12 =	sadd.s32 s6, s2  }
0xd: {  	s7 =	sadd.s32 s6, s7;
	s8 =	sadd.s32 s8, s5;
	s0 =	ssub.s32 s0, s9  }
0xe: {  	s12 =	sshrl.u32 s12, $0x3;
	s1 =	sadd.s32 s1, s5;
	s7 =	sshrl.u32 s7, $0x3  }
0xf: {  	s6 =	sadd.s32 $0x3D200, s8;
	s10 =	sadd.s32 s7, s5;
	s5 =	sshll.u32 s11, $0x6  }
0x10: {  	s8 =	sadd.s32 $0xC200, s1;
	s9 =	sadd.s32 $0x2400, s1;
	s11 =	smax.u32 s0, $0x1  }
0x11: {  	s1 =	simm.s32 $0x0;
	s7 =	sor.u32 $0x1C04, s5;
	s10 =	sadd.s32 $0x64400, s10  }
.LBB2_1:
0x12: {  	[spmem:s12], [sflag:s7] =	dma.local [hbm:s6], $0x2710  }
0x13: {  	[tilespmem:s3], [sflag:$0x1] =	stream.linear.gather [hbm4b:s8+s3], $0x2710, $0x38;
	[tilespmem:$0x1FEA0] =	vst v63  }
0x14: {  	s0 =	simm.s32 $0x2710  }
0x15: {  	[tilespmem:s0], [sflag:$0x2] =	stream.linear.gather [hbm4b:s9+s3], $0x2710, $0x38;
	[tilespmem:$0x1FEA0] =	vst v63  }
0x16: {  	_ =	swait.ge [sflag:s14], $0x2710  }
0x17: {  	[sflag:s14] =	ssyncset.done $0x0  }
0x18: {  	[sflag:s14] =	ssyncadd.s32 $0xFFFFD8F0  }
0x19: {  	_ =	swait.ge [sflag:s15], $0x2710  }
0x1a: {  	[sflag:s15] =	ssyncset.done $0x0  }
0x1b: {  	[sflag:s15] =	ssyncadd.s32 $0xFFFFD8F0  }
0x1c: {  	[tilespmem:s17], [sflag:$0x1] =	stream.indirect.gather [hbm4b:s4+s16], $0x80, s3, s16, $0xb8;
	[tilespmem:$0x1FEA0] =	vst v63  }
0x1d: {  	_ = 	snop  }
0x1e: {  	[tilespmem:s18], [sflag:$0x2] =	stream.indirect.gather [hbm4b:s4+s16], $0x80, s16, s16, $0xb8;
	[tilespmem:$0x1FEA0] =	vst v63  }
0x1f: {  	s13 =	simm.s32 $0xA0  }
0x20: {  	[tilespmem:s20], [sflag:$0x3] =	stream.indirect.gather [hbm4b:s4+s16], $0x80, s13, s16, $0xb8;
	[tilespmem:$0x1FEA0] =	vst v63  }
0x21: {  	_ =	swait.ge [sflag:s21], $0x2710  }
0x22: {  	[sflag:s21] =	ssyncset.done $0x0  }
0x23: {  	[sflag:s21] =	ssyncadd.s32 $0xFFFFD8F0  }
0x24: {  	[bflag:$0x0] =	sbarrier.arrive $0xFFFF  }
0x25: {  	_ =	swait.ge [sflag:s14], $0x2800  }
0x26: {  	[sflag:s14] =	ssyncset.done $0x0  }
0x27: {  	s19 =	simm.s32 $0x2710;
	[sflag:s14] =	ssyncadd.s32 $0xFFFFD800  }
0x28: {  	[spmem:s2] =	stream.indirect.scatter.add.f32 [tilespmem:s17], [sflag:$0x5], $0x80, s19, s16, $0xb8;
	[tilespmem:$0x1FEA0] =	vst v63  }
0x29: {  	_ =	swait.ge [sflag:s22], $0x2800  }
0x2a: {  	[sflag:s22] =	ssyncset.done $0x0  }
0x2b: {  	s13 =	simm.s32 $0xF0;
	[sflag:s22] =	ssyncadd.s32 $0xFFFFD800  }
0x2c: {  	[tilespmem:s17], [sflag:$0x1] =	stream.indirect.gather [hbm4b:s4+s16], $0x80, s13, s16, $0xb8;
	[tilespmem:$0x1FEA0] =	vst v63  }
0x2d: {  	_ =	swait.ge [sflag:s15], $0x2800  }
0x2e: {  	[sflag:s15] =	ssyncset.done $0x0  }
0x2f: {  	s19 =	simm.s32 $0x2760;
	[sflag:s15] =	ssyncadd.s32 $0xFFFFD800  }
0x30: {  	[spmem:s2] =	stream.indirect.scatter.add.f32 [tilespmem:s18], [sflag:$0x5], $0x80, s19, s16, $0xb8;
	[tilespmem:$0x1FEA0] =	vst v63  }
0x31: {  	_ =	swait.ge [sflag:s22], $0x2800  }
0x32: {  	[sflag:s22] =	ssyncset.done $0x0  }
0x33: {  	s13 =	simm.s32 $0x140;
	[sflag:s22] =	ssyncadd.s32 $0xFFFFD800  }
0x34: {  	[tilespmem:s18], [sflag:$0x2] =	stream.indirect.gather [hbm4b:s4+s16], $0x80, s13, s16, $0xb8;
	[tilespmem:$0x1FEA0] =	vst v63  }
0x35: {  	_ =	swait.ge [sflag:s23], $0x2800  }
0x36: {  	[sflag:s23] =	ssyncset.done $0x0  }
0x37: {  	s19 =	simm.s32 $0x27B0;
	[sflag:s23] =	ssyncadd.s32 $0xFFFFD800  }
0x38: {  	[spmem:s2] =	stream.indirect.scatter.add.f32 [tilespmem:s20], [sflag:$0x5], $0x80, s19, s16, $0xb8;
	[tilespmem:$0x1FEA0] =	vst v63  }
0x39: {  	_ =	swait.ge [sflag:s22], $0x2800  }
0x3a: {  	[sflag:s22] =	ssyncset.done $0x0  }
0x3b: {  	s0 =	simm.s32 $0x3C0;
	s13 =	simm.s32 $0x190;
	[sflag:s22] =	ssyncadd.s32 $0xFFFFD800  }
.LBB2_2:
0x3c: {  	[tilespmem:s20], [sflag:$0x3] =	stream.indirect.gather [hbm4b:s4+s16], $0x80, s13, s16, $0xb8;
	[tilespmem:$0x1FEA0] =	vst v63  }
0x3d: {  	s13 =	smov.u32 s0  }
0x3e: {  	p0 =	sne.s32 s0, $0x9240;
	s0 =	sadd.s32 $0x3C0, s0;
	_ =	swait.ge [sflag:s14], $0x2800  }
0x3f: {  	s13 =	sshra.s32 s13, $0x2;
	[sflag:s14] =	ssyncset.done $0x0  }
0x40: {  	s19 =	sadd.s32 $0x2710, s13;
	[sflag:s14] =	ssyncadd.s32 $0xFFFFD800  }
0x41: {  	[spmem:s2] =	stream.indirect.scatter.add.f32 [tilespmem:s17], [sflag:$0x5], $0x80, s19, s16, $0xb8;
	[tilespmem:$0x1FEA0] =	vst v63  }
0x42: {  	_ =	swait.ge [sflag:s22], $0x2800  }
0x43: {  	[sflag:s22] =	ssyncset.done $0x0  }
0x44: {  	s19 =	sadd.s32 $0xF0, s13;
	[sflag:s22] =	ssyncadd.s32 $0xFFFFD800  }
0x45: {  	[tilespmem:s17], [sflag:$0x1] =	stream.indirect.gather [hbm4b:s4+s16], $0x80, s19, s16, $0xb8;
	[tilespmem:$0x1FEA0] =	vst v63  }
0x46: {  	_ =	swait.ge [sflag:s15], $0x2800  }
0x47: {  	[sflag:s15] =	ssyncset.done $0x0  }
0x48: {  	s19 =	sadd.s32 $0x2760, s13;
	[sflag:s15] =	ssyncadd.s32 $0xFFFFD800  }
0x49: {  	[spmem:s2] =	stream.indirect.scatter.add.f32 [tilespmem:s18], [sflag:$0x5], $0x80, s19, s16, $0xb8;
	[tilespmem:$0x1FEA0] =	vst v63  }
0x4a: {  	_ =	swait.ge [sflag:s22], $0x2800  }
0x4b: {  	[sflag:s22] =	ssyncset.done $0x0  }
0x4c: {  	s19 =	sadd.s32 $0x140, s13;
	[sflag:s22] =	ssyncadd.s32 $0xFFFFD800  }
0x4d: {  	[tilespmem:s18], [sflag:$0x2] =	stream.indirect.gather [hbm4b:s4+s16], $0x80, s19, s16, $0xb8;
	[tilespmem:$0x1FEA0] =	vst v63  }
0x4e: {  	_ =	swait.ge [sflag:s23], $0x2800  }
0x4f: {  	[sflag:s23] =	ssyncset.done $0x0  }
.Ltmp0:
0x50: {  	s19 =	sadd.s32 $0x27B0, s13;
	[sflag:s23] =	ssyncadd.s32 $0xFFFFD800;
	(pc) =	sbr.rel @p0 .LBB2_2-.Ltmp0, $4  }
0x51: {  	[spmem:s2] =	stream.indirect.scatter.add.f32 [tilespmem:s20], [sflag:$0x5], $0x80, s19, s16, $0xb8;
	[tilespmem:$0x1FEA0] =	vst v63  }
0x52: {  	_ =	swait.ge [sflag:s22], $0x2800  }
0x53: {  	[sflag:s22] =	ssyncset.done $0x0  }
0x54: {  	s13 =	sadd.s32 $0x190, s13;
	[sflag:s22] =	ssyncadd.s32 $0xFFFFD800  }
0x55: {  	[tilespmem:s20], [sflag:$0x3] =	stream.indirect.gather [hbm4b:s4+s16], $0x80, s13, s16, $0xb8;
	[tilespmem:$0x1FEA0] =	vst v63  }
0x56: {  	_ =	swait.ge [sflag:s14], $0x2800  }
0x57: {  	[sflag:s14] =	ssyncset.done $0x0  }
0x58: {  	[sflag:s14] =	ssyncadd.s32 $0xFFFFD800  }
0x59: {  	[spmem:s2] =	stream.indirect.scatter.add.f32 [tilespmem:s17], [sflag:$0x5], $0x80, s24, s16, $0xb8;
	[tilespmem:$0x1FEA0] =	vst v63  }
0x5a: {  	_ =	swait.ge [sflag:s22], $0x2800  }
0x5b: {  	[sflag:s22] =	ssyncset.done $0x0  }
0x5c: {  	[sflag:s22] =	ssyncadd.s32 $0xFFFFD800  }
0x5d: {  	[tilespmem:s17], [sflag:$0x1] =	stream.indirect.gather [hbm4b:s4+s16], $0x80, s25, s16, $0xb8;
	[tilespmem:$0x1FEA0] =	vst v63  }
0x5e: {  	_ =	swait.ge [sflag:s15], $0x2800  }
0x5f: {  	[sflag:s15] =	ssyncset.done $0x0  }
0x60: {  	[sflag:s15] =	ssyncadd.s32 $0xFFFFD800  }
0x61: {  	[spmem:s2] =	stream.indirect.scatter.add.f32 [tilespmem:s18], [sflag:$0x5], $0x80, s26, s16, $0xb8;
	[tilespmem:$0x1FEA0] =	vst v63  }
0x62: {  	_ =	swait.ge [sflag:s22], $0x2800  }
0x63: {  	[sflag:s22] =	ssyncset.done $0x0  }
0x64: {  	[sflag:s22] =	ssyncadd.s32 $0xFFFFD800  }
0x65: {  	[tilespmem:s18], [sflag:$0x2] =	stream.indirect.gather [hbm4b:s4+s16], $0x80, s28, s16, $0xb8;
	[tilespmem:$0x1FEA0] =	vst v63  }
0x66: {  	_ =	swait.ge [sflag:s23], $0x2800  }
0x67: {  	[sflag:s23] =	ssyncset.done $0x0  }
0x68: {  	[sflag:s23] =	ssyncadd.s32 $0xFFFFD800  }
0x69: {  	[spmem:s2] =	stream.indirect.scatter.add.f32 [tilespmem:s20], [sflag:$0x5], $0x80, s29, s16, $0xb8;
	[tilespmem:$0x1FEA0] =	vst v63  }
0x6a: {  	_ =	swait.ge [sflag:s22], $0x2800  }
0x6b: {  	[sflag:s22] =	ssyncset.done $0x0  }
0x6c: {  	[sflag:s22] =	ssyncadd.s32 $0xFFFFD800  }
0x6d: {  	_ =	swait.ge [sflag:s14], $0x2800  }
0x6e: {  	[sflag:s14] =	ssyncset.done $0x0  }
0x6f: {  	[sflag:s14] =	ssyncadd.s32 $0xFFFFD800  }
0x70: {  	[spmem:s2] =	stream.indirect.scatter.add.f32 [tilespmem:s17], [sflag:$0x5], $0x80, s30, s16, $0xb8;
	[tilespmem:$0x1FEA0] =	vst v63  }
0x71: {  	_ =	swait.ge [sflag:s22], $0x2800  }
0x72: {  	[sflag:s22] =	ssyncset.done $0x0  }
0x73: {  	[sflag:s22] =	ssyncadd.s32 $0xFFFFD800  }
0x74: {  	_ =	swait.ge [sflag:s15], $0x2800  }
0x75: {  	[sflag:s15] =	ssyncset.done $0x0  }
0x76: {  	[sflag:s15] =	ssyncadd.s32 $0xFFFFD800  }
0x77: {  	[spmem:s2] =	stream.indirect.scatter.add.f32 [tilespmem:s18], [sflag:$0x5], $0x80, s31, s16, $0xb8;
	[tilespmem:$0x1FEA0] =	vst v63  }
0x78: {  	_ =	swait.ge [sflag:s22], $0x2800  }
0x79: {  	s1 =	sadd.s32 $0x1, s1;
	[sflag:s22] =	ssyncset.done $0x0  }
0x7a: {  	p0 =	sne.s32 s1, s11;
	[sflag:s22] =	ssyncadd.s32 $0xFFFFD800  }
.Ltmp1:
0x7b: {  	s0 =	sor.u32 $0x1C05, s5;
	[bflag:$0x0] =	sbarrier.arrive $0xFFFF;
	(pc) =	sbr.rel @p0 .LBB2_1-.Ltmp1, $4  }
0x7c: {  	[hbm:s10], [sflag:s0] =	dma.local [spmem:s12], $0x2710  }
0x7d: {  	_ =	swait.ge [sflag:s22], $0x2710  }
0x7e: {  	[sflag:s22] =	ssyncset.done $0x0  }
0x7f: {  	[sflag:s22] =	ssyncadd.s32 $0xFFFFD8F0  }
0x80: {  	_ =	sfence.sel $0x180000  }
0x81: {  	[bflag:$0x0] =	sbarrier.arrive $0xFFFF  }
0x82: {  	_ =	strace $0x9000004A  }
0x83: {  	s0 =	stileid.u32;
	[bflag:$0x2] =	sbarrier.arrive $0xFFFF  }
0x84: {  	p0 =	sne.s32 s0, $0x0;
	s0 =	rddreg [dreg:$0x2]  }
0x85: {  	s0 =	sadd.s32 @!p0 $0x100000, s0  }
0x86: {  	[sflag:s0] =	ssyncadd.tile.s32 @!p0 $0x1;
	_ =	shalt  }
.Lfunc_end2:
_tile_overlayer_lowered:
.L_overlay_start_2:
0x87: {  	(tag) =	ssettag $0x2  }
0x88: {  	s0 =	rddreg [dreg:$0x0];
	s2 =	stileid.u32  }
0x89: {  	s1 =	rddreg [dreg:$0x1];
	p0 =	sne.s32 s2, $0x0  }
0x8a: {  	s3 =	rddreg [dreg:$0x2];
	[bflag:$0x3] =	sbarrier.arrive $0xFFFF;
	s2 =	simm.s32 @!p0 $0x1C05  }
0x8b: {  	[timem:s3], [sflag:s2] =	dma.local @!p0 [hbm:s0], s1  }
0x8c: {  	s0 =	simm.s32 @!p0 $0x5  }
0x8d: {  	_ =	swait.ge @!p0 [sflag:s0], s1  }
0x8e: {  	s1 =	ssub.s32 @!p0 $0x0, s1;
	[sflag:s0] =	ssyncset.done @!p0 $0x0  }
0x8f: {  	[sflag:s0] =	ssyncadd.s32 @!p0 s1  }
0x90: {  	[bflag:$0x3] =	sbarrier.arrive $0xFFFF  }
0x91: {  	_ =	shalt  }

// kernel: _run.14.cloned.1.call-start
scs
__scs_entry_jumppad:
0x0: {  	(pc) =	sbr.rel $0x88, $3  }
0x1: {  	(tag) =	ssettag $0x0;
	lr =	simm.s32 $0x1  }
0x2: {  	[smem:$0x3F9B] =	sst lr;
	_ =	strace $0xD0000000  }
0x3: {  	_ = 	snop  }
0x4: {  	_ = 	snop  }
0x5: {  	_ = 	snop  }
0x6: {  	_ = 	snop  }
0x7: {  	_ = 	snop  }
__scs_overlays_trampoline_lowered:
0x8: {  	[smem:$0x3FAA] =	sst s0  }
0x9: {  	[smem:$0x3FAB] =	sst s1  }
0xa: {  	[smem:$0x3FAC] =	sst s2  }
0xb: {  	[smem:$0x3FAD] =	sst s3  }
0xc: {  	[smem:$0x3FAE] =	sst s4  }
0xd: {  	[smem:$0x3FAF] =	sst s5  }
0xe: {  	[smem:$0x3FB0] =	sst s6  }
0xf: {  	[smem:$0x3FB1] =	sst s7  }
0x10: {  	[smem:$0x3FB2] =	sst s8  }
0x11: {  	[smem:$0x3FB3] =	sst s9;
	s0 =	simm.s32 @!p0 $0x0  }
0x12: {  	s1 =	sld [smem:$0x3F99];
	s0 =	simm.s32 @p0 $0x1  }
0x13: {  	[smem:$0x3FB4] =	sst s0;
	s0 =	simm.s32 @!p1 $0x0  }
0x14: {  	s2 =	sld [smem:$0x3F98];
	s0 =	simm.s32 @p1 $0x1  }
0x15: {  	[smem:$0x3FB5] =	sst s0;
	s0 =	simm.s32 @!p2 $0x0  }
0x16: {  	s3 =	sld [smem:$0x3FDB];
	s0 =	simm.s32 @p2 $0x1  }
0x17: {  	s4 =	simm.s32 $0x1BF5;
	[smem:$0x3FB7] =	sst s0  }
0x18: {  	s0 =	sld [smem:$0x3F9A];
	_ =	swait.ge [sflag:s4], $0x0  }
0x19: {  	s7 =	sld [smem:$0x3F9B]  }
0x1a: {  	s8 =	sadd.s32 $0xFFFFE003, lr  }
0x1b: {  	s9 =	sadd.s32 $0xFFFFFEF7, lr;
	s5 =	simm.s32 $0xFFFFFFFF;
	p2 =	slt.u32 s8, $0xFFFFF086  }
0x1c: {  	p1 =	slt.u32 s9, $0xF7A;
	s5 =	simm.s32 @!p2 $0x0  }
0x1d: {  	s5 =	simm.s32 @p1 $0x1;
	p0 =	seq.s32 s7, s2  }
0x1e: {  	s7 =	smul.u32 @!p0 $0xF7A, s2;
	p2 =	seq.s32 @!p0 s5, $0x0  }
0x1f: {  	s9 =	smul.u32 $0xF7A, s1;
	s8 =	simm.s32 @!p0 $0x1BF5;
	p2 =	por !p2, p0  }
0x20: {  	[sflag:s8] =	ssyncset.s32 @!p0 $0xFFFFF086;
	s6 =	sadd.s32 @!p0 s3, s7;
	s7 =	simm.s32 @!p0 $0x108  }
0x21: {  	s3 =	sadd.s32 s3, s9;
	s6 =	sadd.s32 @!p0 $0x88, s6;
	s7 =	simm.s32 @p2 $0x1082  }
0x22: {  	[simem:s7], [sflag:s8] =	dma.local @!p0 [hbm:s6], $0xF7A  }
0x23: {  	s9 =	sor.u32 $0xD0000000, s2;
	s6 =	simm.s32 $0x108;
	_ =	swait.ge @!p0 [sflag:s8], $0x0  }
0x24: {  	s3 =	sadd.s32 $0x88, s3;
	s6 =	simm.s32 @!p1 $0x1082;
	[sflag:s4] =	ssyncset.s32 $0xFFFFF086  }
0x25: {  	[simem:s6], [sflag:s4] =	dma.local [hbm:s3], $0xF7A  }
0x26: {  	[smem:$0x3F9B] =	sst s1;
	(tag) =	ssettag s2;
	_ =	strace s9  }
0x27: {  	s1 =	sld [smem:$0x3FAB]  }
0x28: {  	s2 =	sld [smem:$0x3FAC]  }
0x29: {  	s4 =	sld [smem:$0x3FAE]  }
0x2a: {  	p0 =	seq.s32 s5, $0x0;
	s5 =	sld [smem:$0x3FAF]  }
0x2b: {  	s6 =	sld [smem:$0x3FB0]  }
0x2c: {  	s7 =	sld [smem:$0x3FB1]  }
0x2d: {  	s3 =	simm.s32 $0x108;
	s8 =	sld [smem:$0x3FB2]  }
0x2e: {  	s3 =	simm.s32 @!p0 $0x1082;
	s9 =	sld [smem:$0x3FB3]  }
0x2f: {  	lr =	sadd.s32 s0, s3;
	s0 =	sld [smem:$0x3FAA]  }
0x30: {  	s3 =	sld [smem:$0x3FAD]  }
0x31: {  	[smem:$0x3FB6] =	sst s10  }
0x32: {  	s10 =	sld [smem:$0x3FB4];
	_ =	sdelay $0x3  }
0x33: {  	p0 =	seq.s32 s10, $0x1;
	s10 =	sld [smem:$0x3FB6];
	_ =	sdelay $0x3  }
0x34: {  	[smem:$0x3FB6] =	sst s10  }
0x35: {  	s10 =	sld [smem:$0x3FB5];
	_ =	sdelay $0x3  }
0x36: {  	p1 =	seq.s32 s10, $0x1;
	s10 =	sld [smem:$0x3FB6];
	_ =	sdelay $0x3  }
0x37: {  	[smem:$0x3FB6] =	sst s10  }
0x38: {  	s10 =	sld [smem:$0x3FB7]  }
0x39: {  	_ = 	snop;
	(pc) =	sbr.ind lr, $3  }
0x3a: {  	_ = 	snop  }
0x3b: {  	_ = 	snop  }
0x3c: {  	p2 =	seq.s32 s10, $0x1;
	s10 =	sld [smem:$0x3FB6]  }
0x3d: {  	_ =	shalt  }
0x3e: {  	_ =	shalt  }
0x3f: {  	_ =	shalt  }
0x40: {  	_ =	shalt  }
0x41: {  	_ =	shalt  }
0x42: {  	_ =	shalt  }
0x43: {  	_ =	shalt  }
0x44: {  	_ =	shalt  }
0x45: {  	_ =	shalt  }
0x46: {  	_ =	shalt  }
0x47: {  	_ =	shalt  }
0x48: {  	_ =	shalt  }
0x49: {  	_ =	shalt  }
0x4a: {  	_ =	shalt  }
0x4b: {  	_ =	shalt  }
0x4c: {  	_ =	shalt  }
0x4d: {  	_ =	shalt  }
0x4e: {  	_ =	shalt  }
0x4f: {  	_ =	shalt  }
0x50: {  	_ =	shalt  }
0x51: {  	_ =	shalt  }
0x52: {  	_ =	shalt  }
0x53: {  	_ =	shalt  }
0x54: {  	_ =	shalt  }
0x55: {  	_ =	shalt  }
0x56: {  	_ =	shalt  }
0x57: {  	_ =	shalt  }
0x58: {  	_ =	shalt  }
0x59: {  	_ =	shalt  }
0x5a: {  	_ =	shalt  }
0x5b: {  	_ =	shalt  }
0x5c: {  	_ =	shalt  }
0x5d: {  	_ =	shalt  }
0x5e: {  	_ =	shalt  }
0x5f: {  	_ =	shalt  }
0x60: {  	_ =	shalt  }
0x61: {  	_ =	shalt  }
0x62: {  	_ =	shalt  }
0x63: {  	_ =	shalt  }
0x64: {  	_ =	shalt  }
0x65: {  	_ =	shalt  }
0x66: {  	_ =	shalt  }
0x67: {  	_ =	shalt  }
0x68: {  	_ =	shalt  }
0x69: {  	_ =	shalt  }
0x6a: {  	_ =	shalt  }
0x6b: {  	_ =	shalt  }
0x6c: {  	_ =	shalt  }
0x6d: {  	_ =	shalt  }
0x6e: {  	_ =	shalt  }
0x6f: {  	_ =	shalt  }
0x70: {  	_ =	shalt  }
0x71: {  	_ =	shalt  }
0x72: {  	_ =	shalt  }
0x73: {  	_ =	shalt  }
0x74: {  	_ =	shalt  }
0x75: {  	_ =	shalt  }
0x76: {  	_ =	shalt  }
0x77: {  	_ =	shalt  }
0x78: {  	_ =	shalt  }
0x79: {  	_ =	shalt  }
0x7a: {  	_ =	shalt  }
0x7b: {  	_ =	shalt  }
0x7c: {  	_ =	shalt  }
0x7d: {  	_ =	shalt  }
0x7e: {  	_ =	shalt  }
0x7f: {  	_ =	shalt  }
0x80: {  	_ =	shalt  }
0x81: {  	_ =	shalt  }
0x82: {  	_ =	shalt  }
0x83: {  	_ =	shalt  }
0x84: {  	_ =	shalt  }
0x85: {  	_ =	shalt  }
0x86: {  	_ =	shalt  }
0x87: {  	_ =	shalt  }
.Lfunc_end0:
.L_simem_size_0:
called_computation.2_lowered:
.L_overlay_start_0:
0x88: {  	s2 =	sld [smem:$0x3FD9]  }
0x89: {  	s3 =	sld [smem:$0x3FFE];
	_ =	sdelay $0x1  }
0x8a: {  	s1 =	srdreg.scid  }
0x8b: {  	s0 =	sand.u32 $0x1, s1  }
0x8c: {  	s17 =	sshll.u32 s0, $0xA;
	s2 =	sadd.s32 s3, s2  }
0x8d: {  	s2 =	sadd.s32 s2, s17  }
0x8e: {  	[smem:$0x3FC2] =	sst s2  }
0x8f: {  	_ = 	snop  }
0x90: {  	s2 =	sld [smem:$0x3FD0];
	(tm) =	ssettm $0x1  }
0x91: {  	s18 =	sld [smem:$0x3FFB];
	_ =	sdelay $0x3  }
0x92: {  	_ =	strace s18  }
0x93: {  	s3 =	sld [smem:$0x3FFC];
	_ =	sdelay $0x3  }
0x94: {  	_ =	strace s3  }
0x95: {  	s3 =	sld [smem:$0x3FFD];
	_ =	sdelay $0x3  }
0x96: {  	_ =	strace s3  }
0x97: {  	_ =	strace $0x8FFFFFFF  }
0x98: {  	s19 =	sld [smem:$0x3FDB];
	_ =	sdelay $0x1  }
0x99: {  	s4 =	simm.s32 $_scs_section_size  }
0x9a: {  	s5 =	simm.s32 $_size__tile_overlayer_lowered;
	s6 =	simm.s32 $_tile_overlayer_lowered  }
0x9b: {  	s22 =	simm.s32 $0x1BFF;
	s21 =	sshll.u32 s6, $0x1;
	s3 =	sadd.s32 s4, s19  }
0x9c: {  	s7 =	simm.s32 $0x0;
	s20 =	sshll.u32 s5, $0x1;
	s5 =	sadd.s32 s21, s3  }
0x9d: {  	[timem:s7], [sflag:s22] =	dma.local [hbm:s5], s20  }
0x9e: {  	_ =	swait.ge [sflag:s22], s20  }
0x9f: {  	s4 =	ssub.s32 $0x0, s20;
	[sflag:s22] =	ssyncset.done $0x0  }
0xa0: {  	[sflag:s22] =	ssyncadd.s32 s4;
	_ =	sdelay $0x1  }
0xa1: {  	s23 =	simm.s32 $0x1B8B  }
0xa2: {  	_ =	swait.ge [sflag:s23], $0x1  }
0xa3: {  	[sflag:s23] =	ssyncset.done $0x0  }
0xa4: {  	s25 =	simm.s32 $0x1B8E;
	s24 =	sld [smem:$0x3FFE];
	[sflag:s23] =	ssyncadd.s32 $0xFFFFFFFF  }
0xa5: {  	s26 =	simm.s32 $execute0_lowered;
	[smem:$0x3FD2] =	sst s25  }
0xa6: {  	s5 =	sshll.u32 s26, $0x1;
	_ =	strace $0x8000004C;
	[dreg:$0x1] =	wrdreg $0xFFFFFFFF  }
0xa7: {  	s28 =	simm.s32 $_size_execute0_lowered;
	s3 =	sadd.s32 s3, s5;
	[dreg:$0x0] =	wrdreg $0x0  }
0xa8: {  	s5 =	sshll.u32 s28, $0x1;
	[dreg:$0x2] =	wrdreg s3  }
0xa9: {  	[dreg:$0x3] =	wrdreg s5  }
0xaa: {  	[dreg:$0x4] =	wrdreg $0xC0  }
0xab: {  	_ =	task [dreg:s7], $0x5FFFF  }
0xac: {  	[dreg:$0x1] =	wrdreg $0xFFFFFFFF  }
0xad: {  	[dreg:$0x0] =	wrdreg $0x60  }
0xae: {  	[dreg:$0x2] =	wrdreg s2  }
0xaf: {  	[dreg:$0x3] =	wrdreg s24  }
0xb0: {  	[dreg:$0x4] =	wrdreg $0xCD000  }
0xb1: {  	[dreg:$0x5] =	wrdreg $0x9  }
0xb2: {  	_ =	task.clear_ibuf [dreg:s7], $0x6FFFF;
	_ =	strace $0x9000004C  }
0xb3: {  	s29 =	simm.s32 $0x9;
	_ =	strace $0x8000004E  }
0xb4: {  	_ =	swait.ge [sflag:s29], $0x1  }
0xb5: {  	[sflag:s29] =	ssyncadd.s32 $0xFFFFFFFF  }
0xb6: {  	_ =	strace $0x9000004E  }
0xb7: {  	_ =	sfence  }
0xb8: {  	s30 =	sld [smem:$0x0];
	_ =	sdelay $0x2  }
0xb9: {  	s31 =	sshll.u32 s1, $0xD;
	s1 =	sshrl.u32 s1, $0x2  }
0xba: {  	s3 =	sand.u32 $0x4000, s31;
	s1 =	sadd.s32 s1, s30  }
0xbb: {  	s0 =	sor.u32 s3, s0;
	s1 =	sshll.u32 s1, $0x11  }
0xbc: {  	s0 =	sor.u32 s1, s0  }
0xbd: {  	s0 =	sadd.s32 $0x8F2B, s0  }
0xbe: {  	[sflag:s0] =	ssyncadd.remote.s32 $0x1  }
0xbf: {  	_ =	sfence.sel $0xFFFF  }
0xc0: {  	[dreg:$0x0] =	wrdreg $0xFFFFFFFF;
	(pc) =	sbr.abs _section_cstart, $3  }
0xc1: {  	[dreg:$0x1] =	wrdreg $0xFFFFFFFF  }
0xc2: {  	_ =	task.clear_ibuf [dreg:s7], $0x2FFFF;
	_ =	strace $0x9FFFFFFF  }
0xc3: {  	(tm) =	ssettm $0x7FFFFFFF  }
tec
execute0_lowered:
.L_overlay_start_1:
0x0: {  	(tag) =	ssettag $0x1  }
0x1: {  	s0 =	srdreg.scid;
	s2 =	rddreg [dreg:$0x0]  }
0x2: {  	s9 =	stileid.u32;
	s5 =	rddreg [dreg:$0x1]  }
0x3: {  	s3 =	rddreg [dreg:$0x2];
	s4 =	simm.s32 $0x0;
	s14 =	simm.s32 $0x1  }
0x4: {  	s15 =	simm.s32 $0x2;
	s16 =	simm.s32 $0x7D;
	s17 =	simm.s32 $0x5000  }
0x5: {  	s19 =	simm.s32 $0x6F40;
	s21 =	simm.s32 $0x8E80;
	s22 =	simm.s32 $0x180  }
0x6: {  	s23 =	simm.s32 $0xADC0;
	s24 =	simm.s32 $0x5;
	s25 =	simm.s32 $0x6  }
0x7: {  	s28 =	simm.s32 $0x4;
	s29 =	simm.s32 $0x4E00;
	s30 =	simm.s32 $0x4E80  }
0x8: {  	s31 =	simm.s32 $0x4F00;
	s0 =	sand.u32 $0x1, s0;
	s1 =	sshll.u32 s9, $0x1  }
0x9: {  	s6 =	smul.u32 $0x9C40, s9;
	[smem:$0x7FF] =	sst s4;
	s1 =	sor.u32 s0, s1  }
0xa: {  	s7 =	smul.u32 $0x9C400, s0;
	_ =	strace $0x8000004D;
	s0 =	ssub.s32 $0x2, s0  }
0xb: {  	s1 =	smul.u32 $0x500, s1;
	s8 =	sshrl.u32 s6, $0x3;
	s26 =	sshrl.u32 s0, $0x1  }
0xc: {  	s12 =	sadd.s32 s6, s3;
	s7 =	sadd.s32 s6, s7;
	s8 =	sadd.s32 s8, s5  }
0xd: {  	s0 =	ssub.s32 s0, s26;
	s12 =	sshrl.u32 s12, $0x3;
	s26 =	simm.s32 $0x3  }
0xe: {  	s1 =	sadd.s32 s1, s5;
	s7 =	sshrl.u32 s7, $0x3;
	s6 =	sadd.s32 $0x2400, s8  }
0xf: {  	s11 =	smax.u32 s0, $0x1;
	s0 =	simm.s32 $0x0;
	s10 =	sadd.s32 s7, s5  }
0x10: {  	s5 =	sshll.u32 s9, $0x6;
	s8 =	sadd.s32 $0xBC600, s1;
	s9 =	sadd.s32 $0xB2600, s1  }
0x11: {  	s1 =	simm.s32 $0x4F80;
	s7 =	sor.u32 $0x1C05, s5;
	s10 =	sadd.s32 $0x15E00, s10  }
.LBB2_1:
0x12: {  	[spmem:s12], [sflag:s7] =	dma.local [hbm:s6], $0x1388  }
0x13: {  	[tilespmem:s4], [sflag:$0x1] =	stream.linear.gather [hbm4b:s8+s4], $0x2800, $0x38;
	[tilespmem:$0x16940] =	vst v63  }
0x14: {  	s13 =	simm.s32 $0x2800  }
0x15: {  	[tilespmem:s13], [sflag:$0x2] =	stream.linear.gather [hbm4b:s9+s4], $0x2800, $0x38;
	[tilespmem:$0x16940] =	vst v63  }
0x16: {  	_ =	swait.ge [sflag:s14], $0x2800  }
0x17: {  	[sflag:s14] =	ssyncset.done $0x0  }
0x18: {  	[sflag:s14] =	ssyncadd.s32 $0xFFFFD800  }
0x19: {  	_ =	swait.ge [sflag:s15], $0x2800  }
0x1a: {  	[sflag:s15] =	ssyncset.done $0x0  }
0x1b: {  	[sflag:s15] =	ssyncadd.s32 $0xFFFFD800  }
0x1c: {  	[tilespmem:s17], [sflag:$0x1] =	stream.indirect.gather [hbm4b:s2+s16], $0x40, s4, s16, $0xb8;
	[tilespmem:$0x16940] =	vst v63  }
0x1d: {  	s20 =	simm.s32 $0x80  }
0x1e: {  	[tilespmem:s19], [sflag:$0x2] =	stream.indirect.gather [hbm4b:s2+s16], $0x40, s20, s16, $0xb8;
	[tilespmem:$0x16940] =	vst v63  }
0x1f: {  	s18 =	simm.s32 $0x100  }
0x20: {  	[tilespmem:s21], [sflag:$0x3] =	stream.indirect.gather [hbm4b:s2+s16], $0x40, s18, s16, $0xb8;
	[tilespmem:$0x16940] =	vst v63  }
0x21: {  	_ = 	snop  }
0x22: {  	[tilespmem:s23], [sflag:$0x4] =	stream.indirect.gather [hbm4b:s2+s16], $0x40, s22, s16, $0xb8;
	[tilespmem:$0x16940] =	vst v63  }
0x23: {  	_ =	swait.ge [sflag:s24], $0x1388  }
0x24: {  	[sflag:s24] =	ssyncset.done $0x0  }
0x25: {  	[sflag:s24] =	ssyncadd.s32 $0xFFFFEC78  }
0x26: {  	[bflag:$0x0] =	sbarrier.arrive $0xFFFF  }
0x27: {  	_ =	swait.ge [sflag:s14], $0x1F40  }
0x28: {  	[sflag:s14] =	ssyncset.done $0x0  }
0x29: {  	s20 =	simm.s32 $0x2800;
	[sflag:s14] =	ssyncadd.s32 $0xFFFFE0C0  }
0x2a: {  	[spmem:s3] =	stream.indirect.scatter.add.f32 [tilespmem:s17], [sflag:$0x6], $0x40, s20, s16, $0xb8;
	[tilespmem:$0x16940] =	vst v63  }
0x2b: {  	_ =	swait.ge [sflag:s25], $0x1F40  }
0x2c: {  	[sflag:s25] =	ssyncset.done $0x0  }
0x2d: {  	s18 =	simm.s32 $0x200;
	[sflag:s25] =	ssyncadd.s32 $0xFFFFE0C0  }
0x2e: {  	[tilespmem:s17], [sflag:$0x1] =	stream.indirect.gather [hbm4b:s2+s16], $0x40, s18, s16, $0xb8;
	[tilespmem:$0x16940] =	vst v63  }
0x2f: {  	_ =	swait.ge [sflag:s15], $0x1F40  }
0x30: {  	[sflag:s15] =	ssyncset.done $0x0  }
0x31: {  	s20 =	simm.s32 $0x2880;
	[sflag:s15] =	ssyncadd.s32 $0xFFFFE0C0  }
0x32: {  	[spmem:s3] =	stream.indirect.scatter.add.f32 [tilespmem:s19], [sflag:$0x6], $0x40, s20, s16, $0xb8;
	[tilespmem:$0x16940] =	vst v63  }
0x33: {  	_ =	swait.ge [sflag:s25], $0x1F40  }
0x34: {  	[sflag:s25] =	ssyncset.done $0x0  }
0x35: {  	s18 =	simm.s32 $0x280;
	[sflag:s25] =	ssyncadd.s32 $0xFFFFE0C0  }
0x36: {  	[tilespmem:s19], [sflag:$0x2] =	stream.indirect.gather [hbm4b:s2+s16], $0x40, s18, s16, $0xb8;
	[tilespmem:$0x16940] =	vst v63  }
0x37: {  	_ =	swait.ge [sflag:s26], $0x1F40  }
0x38: {  	[sflag:s26] =	ssyncset.done $0x0  }
0x39: {  	s20 =	simm.s32 $0x2900;
	[sflag:s26] =	ssyncadd.s32 $0xFFFFE0C0  }
0x3a: {  	[spmem:s3] =	stream.indirect.scatter.add.f32 [tilespmem:s21], [sflag:$0x6], $0x40, s20, s16, $0xb8;
	[tilespmem:$0x16940] =	vst v63  }
0x3b: {  	_ =	swait.ge [sflag:s25], $0x1F40  }
0x3c: {  	[sflag:s25] =	ssyncset.done $0x0  }
0x3d: {  	s18 =	simm.s32 $0x300;
	[sflag:s25] =	ssyncadd.s32 $0xFFFFE0C0  }
0x3e: {  	[tilespmem:s21], [sflag:$0x3] =	stream.indirect.gather [hbm4b:s2+s16], $0x40, s18, s16, $0xb8;
	[tilespmem:$0x16940] =	vst v63  }
0x3f: {  	_ =	swait.ge [sflag:s28], $0x1F40  }
0x40: {  	[sflag:s28] =	ssyncset.done $0x0  }
0x41: {  	s20 =	simm.s32 $0x2980;
	[sflag:s28] =	ssyncadd.s32 $0xFFFFE0C0  }
0x42: {  	[spmem:s3] =	stream.indirect.scatter.add.f32 [tilespmem:s23], [sflag:$0x6], $0x40, s20, s16, $0xb8;
	[tilespmem:$0x16940] =	vst v63  }
0x43: {  	_ =	swait.ge [sflag:s25], $0x1F40  }
0x44: {  	[sflag:s25] =	ssyncset.done $0x0  }
0x45: {  	s13 =	simm.s32 $0x800;
	s18 =	simm.s32 $0x380;
	[sflag:s25] =	ssyncadd.s32 $0xFFFFE0C0  }
.LBB2_2:
0x46: {  	[tilespmem:s23], [sflag:$0x4] =	stream.indirect.gather [hbm4b:s2+s16], $0x40, s18, s16, $0xb8;
	[tilespmem:$0x16940] =	vst v63  }
0x47: {  	s18 =	smov.u32 s13  }
0x48: {  	p0 =	sne.s32 s13, $0x9000;
	s13 =	sadd.s32 $0x800, s13;
	_ =	swait.ge [sflag:s14], $0x1F40  }
0x49: {  	s18 =	sshra.s32 s18, $0x2;
	[sflag:s14] =	ssyncset.done $0x0  }
0x4a: {  	s20 =	sadd.s32 $0x2800, s18;
	[sflag:s14] =	ssyncadd.s32 $0xFFFFE0C0  }
0x4b: {  	[spmem:s3] =	stream.indirect.scatter.add.f32 [tilespmem:s17], [sflag:$0x6], $0x40, s20, s16, $0xb8;
	[tilespmem:$0x16940] =	vst v63  }
0x4c: {  	_ =	swait.ge [sflag:s25], $0x1F40  }
0x4d: {  	[sflag:s25] =	ssyncset.done $0x0  }
0x4e: {  	s20 =	sadd.s32 $0x200, s18;
	[sflag:s25] =	ssyncadd.s32 $0xFFFFE0C0  }
0x4f: {  	[tilespmem:s17], [sflag:$0x1] =	stream.indirect.gather [hbm4b:s2+s16], $0x40, s20, s16, $0xb8;
	[tilespmem:$0x16940] =	vst v63  }
0x50: {  	_ =	swait.ge [sflag:s15], $0x1F40  }
0x51: {  	[sflag:s15] =	ssyncset.done $0x0  }
0x52: {  	s20 =	sadd.s32 $0x2880, s18;
	[sflag:s15] =	ssyncadd.s32 $0xFFFFE0C0  }
0x53: {  	[spmem:s3] =	stream.indirect.scatter.add.f32 [tilespmem:s19], [sflag:$0x6], $0x40, s20, s16, $0xb8;
	[tilespmem:$0x16940] =	vst v63  }
0x54: {  	_ =	swait.ge [sflag:s25], $0x1F40  }
0x55: {  	[sflag:s25] =	ssyncset.done $0x0  }
0x56: {  	s20 =	sadd.s32 $0x280, s18;
	[sflag:s25] =	ssyncadd.s32 $0xFFFFE0C0  }
0x57: {  	[tilespmem:s19], [sflag:$0x2] =	stream.indirect.gather [hbm4b:s2+s16], $0x40, s20, s16, $0xb8;
	[tilespmem:$0x16940] =	vst v63  }
0x58: {  	_ =	swait.ge [sflag:s26], $0x1F40  }
0x59: {  	[sflag:s26] =	ssyncset.done $0x0  }
0x5a: {  	s20 =	sadd.s32 $0x2900, s18;
	[sflag:s26] =	ssyncadd.s32 $0xFFFFE0C0  }
0x5b: {  	[spmem:s3] =	stream.indirect.scatter.add.f32 [tilespmem:s21], [sflag:$0x6], $0x40, s20, s16, $0xb8;
	[tilespmem:$0x16940] =	vst v63  }
0x5c: {  	_ =	swait.ge [sflag:s25], $0x1F40  }
0x5d: {  	[sflag:s25] =	ssyncset.done $0x0  }
0x5e: {  	s20 =	sadd.s32 $0x300, s18;
	[sflag:s25] =	ssyncadd.s32 $0xFFFFE0C0  }
0x5f: {  	[tilespmem:s21], [sflag:$0x3] =	stream.indirect.gather [hbm4b:s2+s16], $0x40, s20, s16, $0xb8;
	[tilespmem:$0x16940] =	vst v63  }
0x60: {  	_ =	swait.ge [sflag:s28], $0x1F40  }
0x61: {  	[sflag:s28] =	ssyncset.done $0x0  }
.Ltmp0:
0x62: {  	s20 =	sadd.s32 $0x2980, s18;
	[sflag:s28] =	ssyncadd.s32 $0xFFFFE0C0;
	(pc) =	sbr.rel @p0 .LBB2_2-.Ltmp0, $4  }
0x63: {  	[spmem:s3] =	stream.indirect.scatter.add.f32 [tilespmem:s23], [sflag:$0x6], $0x40, s20, s16, $0xb8;
	[tilespmem:$0x16940] =	vst v63  }
0x64: {  	_ =	swait.ge [sflag:s25], $0x1F40  }
0x65: {  	[sflag:s25] =	ssyncset.done $0x0  }
0x66: {  	s18 =	sadd.s32 $0x380, s18;
	[sflag:s25] =	ssyncadd.s32 $0xFFFFE0C0  }
0x67: {  	[tilespmem:s23], [sflag:$0x4] =	stream.indirect.gather [hbm4b:s2+s16], $0x40, s18, s16, $0xb8;
	[tilespmem:$0x16940] =	vst v63  }
0x68: {  	_ =	swait.ge [sflag:s14], $0x1F40  }
0x69: {  	[sflag:s14] =	ssyncset.done $0x0  }
0x6a: {  	[sflag:s14] =	ssyncadd.s32 $0xFFFFE0C0  }
0x6b: {  	[spmem:s3] =	stream.indirect.scatter.add.f32 [tilespmem:s17], [sflag:$0x6], $0x40, s29, s16, $0xb8;
	[tilespmem:$0x16940] =	vst v63  }
0x6c: {  	_ =	swait.ge [sflag:s25], $0x1F40  }
0x6d: {  	[sflag:s25] =	ssyncset.done $0x0  }
0x6e: {  	[sflag:s25] =	ssyncadd.s32 $0xFFFFE0C0  }
0x6f: {  	_ =	swait.ge [sflag:s15], $0x1F40  }
0x70: {  	[sflag:s15] =	ssyncset.done $0x0  }
0x71: {  	[sflag:s15] =	ssyncadd.s32 $0xFFFFE0C0  }
0x72: {  	[spmem:s3] =	stream.indirect.scatter.add.f32 [tilespmem:s19], [sflag:$0x6], $0x40, s30, s16, $0xb8;
	[tilespmem:$0x16940] =	vst v63  }
0x73: {  	_ =	swait.ge [sflag:s25], $0x1F40  }
0x74: {  	[sflag:s25] =	ssyncset.done $0x0  }
0x75: {  	[sflag:s25] =	ssyncadd.s32 $0xFFFFE0C0  }
0x76: {  	_ =	swait.ge [sflag:s26], $0x1F40  }
0x77: {  	[sflag:s26] =	ssyncset.done $0x0  }
0x78: {  	[sflag:s26] =	ssyncadd.s32 $0xFFFFE0C0  }
0x79: {  	[spmem:s3] =	stream.indirect.scatter.add.f32 [tilespmem:s21], [sflag:$0x6], $0x40, s31, s16, $0xb8;
	[tilespmem:$0x16940] =	vst v63  }
0x7a: {  	_ =	swait.ge [sflag:s25], $0x1F40  }
0x7b: {  	[sflag:s25] =	ssyncset.done $0x0  }
0x7c: {  	[sflag:s25] =	ssyncadd.s32 $0xFFFFE0C0  }
0x7d: {  	_ =	swait.ge [sflag:s28], $0x1F40  }
0x7e: {  	[sflag:s28] =	ssyncset.done $0x0  }
0x7f: {  	[sflag:s28] =	ssyncadd.s32 $0xFFFFE0C0  }
0x80: {  	[spmem:s3] =	stream.indirect.scatter.add.f32 [tilespmem:s23], [sflag:$0x6], $0x40, s1, s16, $0xb8;
	[tilespmem:$0x16940] =	vst v63  }
0x81: {  	_ =	swait.ge [sflag:s25], $0x1F40  }
0x82: {  	s0 =	sadd.s32 $0x1, s0;
	[sflag:s25] =	ssyncset.done $0x0  }
0x83: {  	p0 =	sne.s32 s0, s11;
	[sflag:s25] =	ssyncadd.s32 $0xFFFFE0C0  }
.Ltmp1:
0x84: {  	s13 =	sor.u32 $0x1C06, s5;
	[bflag:$0x0] =	sbarrier.arrive $0xFFFF;
	(pc) =	sbr.rel @p0 .LBB2_1-.Ltmp1, $4  }
0x85: {  	[hbm:s10], [sflag:s13] =	dma.local [spmem:s12], $0x1388  }
0x86: {  	_ =	swait.ge [sflag:s25], $0x1388  }
0x87: {  	[sflag:s25] =	ssyncset.done $0x0  }
0x88: {  	[sflag:s25] =	ssyncadd.s32 $0xFFFFEC78  }
0x89: {  	_ =	sfence.sel $0x180000  }
0x8a: {  	[bflag:$0x0] =	sbarrier.arrive $0xFFFF  }
0x8b: {  	_ =	strace $0x9000004D  }
0x8c: {  	s0 =	stileid.u32;
	[bflag:$0x2] =	sbarrier.arrive $0xFFFF  }
0x8d: {  	p0 =	sne.s32 s0, $0x0;
	s0 =	rddreg [dreg:$0x3]  }
0x8e: {  	s0 =	sadd.s32 @!p0 $0x100000, s0  }
0x8f: {  	[sflag:s0] =	ssyncadd.tile.s32 @!p0 $0x1;
	_ =	shalt  }
.Lfunc_end2:
_tile_overlayer_lowered:
.L_overlay_start_2:
0x90: {  	(tag) =	ssettag $0x2  }
0x91: {  	s0 =	rddreg [dreg:$0x0];
	s2 =	stileid.u32  }
0x92: {  	s1 =	rddreg [dreg:$0x1];
	p0 =	sne.s32 s2, $0x0  }
0x93: {  	s3 =	rddreg [dreg:$0x2];
	[bflag:$0x3] =	sbarrier.arrive $0xFFFF;
	s2 =	simm.s32 @!p0 $0x1C06  }
0x94: {  	[timem:s3], [sflag:s2] =	dma.local @!p0 [hbm:s0], s1  }
0x95: {  	s0 =	simm.s32 @!p0 $0x6  }
0x96: {  	_ =	swait.ge @!p0 [sflag:s0], s1  }
0x97: {  	s1 =	ssub.s32 @!p0 $0x0, s1;
	[sflag:s0] =	ssyncset.done @!p0 $0x0  }
0x98: {  	[sflag:s0] =	ssyncadd.s32 @!p0 s1  }
0x99: {  	[bflag:$0x3] =	sbarrier.arrive $0xFFFF  }
0x9a: {  	_ =	shalt  }

// kernel: _run.8.cloned.1.call-start
scs
__scs_entry_jumppad:
0x0: {  	(pc) =	sbr.rel $0x88, $3  }
0x1: {  	(tag) =	ssettag $0x0;
	lr =	simm.s32 $0x1  }
0x2: {  	[smem:$0x3F9B] =	sst lr;
	_ =	strace $0xD0000000  }
0x3: {  	_ = 	snop  }
0x4: {  	_ = 	snop  }
0x5: {  	_ = 	snop  }
0x6: {  	_ = 	snop  }
0x7: {  	_ = 	snop  }
__scs_overlays_trampoline_lowered:
0x8: {  	[smem:$0x3FAA] =	sst s0  }
0x9: {  	[smem:$0x3FAB] =	sst s1  }
0xa: {  	[smem:$0x3FAC] =	sst s2  }
0xb: {  	[smem:$0x3FAD] =	sst s3  }
0xc: {  	[smem:$0x3FAE] =	sst s4  }
0xd: {  	[smem:$0x3FAF] =	sst s5  }
0xe: {  	[smem:$0x3FB0] =	sst s6  }
0xf: {  	[smem:$0x3FB1] =	sst s7  }
0x10: {  	[smem:$0x3FB2] =	sst s8  }
0x11: {  	[smem:$0x3FB3] =	sst s9;
	s0 =	simm.s32 @!p0 $0x0  }
0x12: {  	s1 =	sld [smem:$0x3F99];
	s0 =	simm.s32 @p0 $0x1  }
0x13: {  	[smem:$0x3FB4] =	sst s0;
	s0 =	simm.s32 @!p1 $0x0  }
0x14: {  	s2 =	sld [smem:$0x3F98];
	s0 =	simm.s32 @p1 $0x1  }
0x15: {  	[smem:$0x3FB5] =	sst s0;
	s0 =	simm.s32 @!p2 $0x0  }
0x16: {  	s3 =	sld [smem:$0x3FDB];
	s0 =	simm.s32 @p2 $0x1  }
0x17: {  	s4 =	simm.s32 $0x1BF5;
	[smem:$0x3FB7] =	sst s0  }
0x18: {  	s0 =	sld [smem:$0x3F9A];
	_ =	swait.ge [sflag:s4], $0x0  }
0x19: {  	s7 =	sld [smem:$0x3F9B]  }
0x1a: {  	s8 =	sadd.s32 $0xFFFFE003, lr  }
0x1b: {  	s9 =	sadd.s32 $0xFFFFFEF7, lr;
	s5 =	simm.s32 $0xFFFFFFFF;
	p2 =	slt.u32 s8, $0xFFFFF086  }
0x1c: {  	p1 =	slt.u32 s9, $0xF7A;
	s5 =	simm.s32 @!p2 $0x0  }
0x1d: {  	s5 =	simm.s32 @p1 $0x1;
	p0 =	seq.s32 s7, s2  }
0x1e: {  	s7 =	smul.u32 @!p0 $0xF7A, s2;
	p2 =	seq.s32 @!p0 s5, $0x0  }
0x1f: {  	s9 =	smul.u32 $0xF7A, s1;
	s8 =	simm.s32 @!p0 $0x1BF5;
	p2 =	por !p2, p0  }
0x20: {  	[sflag:s8] =	ssyncset.s32 @!p0 $0xFFFFF086;
	s6 =	sadd.s32 @!p0 s3, s7;
	s7 =	simm.s32 @!p0 $0x108  }
0x21: {  	s3 =	sadd.s32 s3, s9;
	s6 =	sadd.s32 @!p0 $0x88, s6;
	s7 =	simm.s32 @p2 $0x1082  }
0x22: {  	[simem:s7], [sflag:s8] =	dma.local @!p0 [hbm:s6], $0xF7A  }
0x23: {  	s9 =	sor.u32 $0xD0000000, s2;
	s6 =	simm.s32 $0x108;
	_ =	swait.ge @!p0 [sflag:s8], $0x0  }
0x24: {  	s3 =	sadd.s32 $0x88, s3;
	s6 =	simm.s32 @!p1 $0x1082;
	[sflag:s4] =	ssyncset.s32 $0xFFFFF086  }
0x25: {  	[simem:s6], [sflag:s4] =	dma.local [hbm:s3], $0xF7A  }
0x26: {  	[smem:$0x3F9B] =	sst s1;
	(tag) =	ssettag s2;
	_ =	strace s9  }
0x27: {  	s1 =	sld [smem:$0x3FAB]  }
0x28: {  	s2 =	sld [smem:$0x3FAC]  }
0x29: {  	s4 =	sld [smem:$0x3FAE]  }
0x2a: {  	p0 =	seq.s32 s5, $0x0;
	s5 =	sld [smem:$0x3FAF]  }
0x2b: {  	s6 =	sld [smem:$0x3FB0]  }
0x2c: {  	s7 =	sld [smem:$0x3FB1]  }
0x2d: {  	s3 =	simm.s32 $0x108;
	s8 =	sld [smem:$0x3FB2]  }
0x2e: {  	s3 =	simm.s32 @!p0 $0x1082;
	s9 =	sld [smem:$0x3FB3]  }
0x2f: {  	lr =	sadd.s32 s0, s3;
	s0 =	sld [smem:$0x3FAA]  }
0x30: {  	s3 =	sld [smem:$0x3FAD]  }
0x31: {  	[smem:$0x3FB6] =	sst s10  }
0x32: {  	s10 =	sld [smem:$0x3FB4];
	_ =	sdelay $0x3  }
0x33: {  	p0 =	seq.s32 s10, $0x1;
	s10 =	sld [smem:$0x3FB6];
	_ =	sdelay $0x3  }
0x34: {  	[smem:$0x3FB6] =	sst s10  }
0x35: {  	s10 =	sld [smem:$0x3FB5];
	_ =	sdelay $0x3  }
0x36: {  	p1 =	seq.s32 s10, $0x1;
	s10 =	sld [smem:$0x3FB6];
	_ =	sdelay $0x3  }
0x37: {  	[smem:$0x3FB6] =	sst s10  }
0x38: {  	s10 =	sld [smem:$0x3FB7]  }
0x39: {  	_ = 	snop;
	(pc) =	sbr.ind lr, $3  }
0x3a: {  	_ = 	snop  }
0x3b: {  	_ = 	snop  }
0x3c: {  	p2 =	seq.s32 s10, $0x1;
	s10 =	sld [smem:$0x3FB6]  }
0x3d: {  	_ =	shalt  }
0x3e: {  	_ =	shalt  }
0x3f: {  	_ =	shalt  }
0x40: {  	_ =	shalt  }
0x41: {  	_ =	shalt  }
0x42: {  	_ =	shalt  }
0x43: {  	_ =	shalt  }
0x44: {  	_ =	shalt  }
0x45: {  	_ =	shalt  }
0x46: {  	_ =	shalt  }
0x47: {  	_ =	shalt  }
0x48: {  	_ =	shalt  }
0x49: {  	_ =	shalt  }
0x4a: {  	_ =	shalt  }
0x4b: {  	_ =	shalt  }
0x4c: {  	_ =	shalt  }
0x4d: {  	_ =	shalt  }
0x4e: {  	_ =	shalt  }
0x4f: {  	_ =	shalt  }
0x50: {  	_ =	shalt  }
0x51: {  	_ =	shalt  }
0x52: {  	_ =	shalt  }
0x53: {  	_ =	shalt  }
0x54: {  	_ =	shalt  }
0x55: {  	_ =	shalt  }
0x56: {  	_ =	shalt  }
0x57: {  	_ =	shalt  }
0x58: {  	_ =	shalt  }
0x59: {  	_ =	shalt  }
0x5a: {  	_ =	shalt  }
0x5b: {  	_ =	shalt  }
0x5c: {  	_ =	shalt  }
0x5d: {  	_ =	shalt  }
0x5e: {  	_ =	shalt  }
0x5f: {  	_ =	shalt  }
0x60: {  	_ =	shalt  }
0x61: {  	_ =	shalt  }
0x62: {  	_ =	shalt  }
0x63: {  	_ =	shalt  }
0x64: {  	_ =	shalt  }
0x65: {  	_ =	shalt  }
0x66: {  	_ =	shalt  }
0x67: {  	_ =	shalt  }
0x68: {  	_ =	shalt  }
0x69: {  	_ =	shalt  }
0x6a: {  	_ =	shalt  }
0x6b: {  	_ =	shalt  }
0x6c: {  	_ =	shalt  }
0x6d: {  	_ =	shalt  }
0x6e: {  	_ =	shalt  }
0x6f: {  	_ =	shalt  }
0x70: {  	_ =	shalt  }
0x71: {  	_ =	shalt  }
0x72: {  	_ =	shalt  }
0x73: {  	_ =	shalt  }
0x74: {  	_ =	shalt  }
0x75: {  	_ =	shalt  }
0x76: {  	_ =	shalt  }
0x77: {  	_ =	shalt  }
0x78: {  	_ =	shalt  }
0x79: {  	_ =	shalt  }
0x7a: {  	_ =	shalt  }
0x7b: {  	_ =	shalt  }
0x7c: {  	_ =	shalt  }
0x7d: {  	_ =	shalt  }
0x7e: {  	_ =	shalt  }
0x7f: {  	_ =	shalt  }
0x80: {  	_ =	shalt  }
0x81: {  	_ =	shalt  }
0x82: {  	_ =	shalt  }
0x83: {  	_ =	shalt  }
0x84: {  	_ =	shalt  }
0x85: {  	_ =	shalt  }
0x86: {  	_ =	shalt  }
0x87: {  	_ =	shalt  }
.Lfunc_end0:
.L_simem_size_0:
called_computation_lowered:
.L_overlay_start_0:
0x88: {  	s2 =	sld [smem:$0x3FD9]  }
0x89: {  	s3 =	sld [smem:$0x3FFE];
	_ =	sdelay $0x1  }
0x8a: {  	s1 =	srdreg.scid  }
0x8b: {  	s0 =	sand.u32 $0x1, s1  }
0x8c: {  	s17 =	sshll.u32 s0, $0xA;
	s2 =	sadd.s32 s3, s2  }
0x8d: {  	s2 =	sadd.s32 s2, s17  }
0x8e: {  	[smem:$0x3FC2] =	sst s2  }
0x8f: {  	_ = 	snop  }
0x90: {  	s2 =	sld [smem:$0x3FD0];
	(tm) =	ssettm $0x1  }
0x91: {  	s18 =	sld [smem:$0x3FFB];
	_ =	sdelay $0x3  }
0x92: {  	_ =	strace s18  }
0x93: {  	s3 =	sld [smem:$0x3FFC];
	_ =	sdelay $0x3  }
0x94: {  	_ =	strace s3  }
0x95: {  	s3 =	sld [smem:$0x3FFD];
	_ =	sdelay $0x3  }
0x96: {  	_ =	strace s3  }
0x97: {  	_ =	strace $0x8FFFFFFF  }
0x98: {  	s19 =	sld [smem:$0x3FDB];
	_ =	sdelay $0x1  }
0x99: {  	s4 =	simm.s32 $_scs_section_size  }
0x9a: {  	s5 =	simm.s32 $_size__tile_overlayer_lowered;
	s6 =	simm.s32 $_tile_overlayer_lowered  }
0x9b: {  	s22 =	simm.s32 $0x1BFF;
	s21 =	sshll.u32 s6, $0x1;
	s3 =	sadd.s32 s4, s19  }
0x9c: {  	s7 =	simm.s32 $0x0;
	s20 =	sshll.u32 s5, $0x1;
	s5 =	sadd.s32 s21, s3  }
0x9d: {  	[timem:s7], [sflag:s22] =	dma.local [hbm:s5], s20  }
0x9e: {  	_ =	swait.ge [sflag:s22], s20  }
0x9f: {  	s4 =	ssub.s32 $0x0, s20;
	[sflag:s22] =	ssyncset.done $0x0  }
0xa0: {  	[sflag:s22] =	ssyncadd.s32 s4;
	_ =	sdelay $0x1  }
0xa1: {  	s23 =	simm.s32 $0x1B8B  }
0xa2: {  	_ =	swait.ge [sflag:s23], $0x1  }
0xa3: {  	[sflag:s23] =	ssyncset.done $0x0  }
0xa4: {  	s25 =	simm.s32 $0x1B8E;
	s24 =	sld [smem:$0x3FFE];
	[sflag:s23] =	ssyncadd.s32 $0xFFFFFFFF  }
0xa5: {  	s26 =	simm.s32 $execute0_lowered;
	[smem:$0x3FD2] =	sst s25  }
0xa6: {  	s5 =	sshll.u32 s26, $0x1;
	_ =	strace $0x80000046;
	[dreg:$0x1] =	wrdreg $0xFFFFFFFF  }
0xa7: {  	s28 =	simm.s32 $_size_execute0_lowered;
	s3 =	sadd.s32 s3, s5;
	[dreg:$0x0] =	wrdreg $0x0  }
0xa8: {  	s5 =	sshll.u32 s28, $0x1;
	[dreg:$0x2] =	wrdreg s3  }
0xa9: {  	[dreg:$0x3] =	wrdreg s5  }
0xaa: {  	[dreg:$0x4] =	wrdreg $0xC0  }
0xab: {  	_ =	task [dreg:s7], $0x5FFFF  }
0xac: {  	[dreg:$0x1] =	wrdreg $0xFFFFFFFF  }
0xad: {  	[dreg:$0x0] =	wrdreg $0x60  }
0xae: {  	[dreg:$0x2] =	wrdreg s24  }
0xaf: {  	[dreg:$0x3] =	wrdreg s2  }
0xb0: {  	[dreg:$0x4] =	wrdreg $0x9  }
0xb1: {  	_ =	task.clear_ibuf [dreg:s7], $0x5FFFF;
	_ =	strace $0x90000046  }
0xb2: {  	s29 =	simm.s32 $0x9;
	_ =	strace $0x80000048  }
0xb3: {  	_ =	swait.ge [sflag:s29], $0x1  }
0xb4: {  	[sflag:s29] =	ssyncadd.s32 $0xFFFFFFFF  }
0xb5: {  	_ =	strace $0x90000048  }
0xb6: {  	_ =	sfence  }
0xb7: {  	s30 =	sld [smem:$0x0];
	_ =	sdelay $0x2  }
0xb8: {  	s31 =	sshll.u32 s1, $0xD;
	s1 =	sshrl.u32 s1, $0x2  }
0xb9: {  	s3 =	sand.u32 $0x4000, s31;
	s1 =	sadd.s32 s1, s30  }
0xba: {  	s0 =	sor.u32 s3, s0;
	s1 =	sshll.u32 s1, $0x11  }
0xbb: {  	s0 =	sor.u32 s1, s0  }
0xbc: {  	s0 =	sadd.s32 $0x8F2B, s0  }
0xbd: {  	[sflag:s0] =	ssyncadd.remote.s32 $0x1  }
0xbe: {  	_ =	sfence.sel $0xFFFF  }
0xbf: {  	[dreg:$0x0] =	wrdreg $0xFFFFFFFF;
	(pc) =	sbr.abs _section_cstart, $3  }
0xc0: {  	[dreg:$0x1] =	wrdreg $0xFFFFFFFF  }
0xc1: {  	_ =	task.clear_ibuf [dreg:s7], $0x2FFFF;
	_ =	strace $0x9FFFFFFF  }
0xc2: {  	(tm) =	ssettm $0x7FFFFFFF  }
0xc3: {  	_ =	shalt  }
tec
execute0_lowered:
.L_overlay_start_1:
0x0: {  	(tag) =	ssettag $0x1  }
0x1: {  	s1 =	srdreg.scid;
	s4 =	rddreg [dreg:$0x0]  }
0x2: {  	s0 =	stileid.u32;
	s6 =	rddreg [dreg:$0x1]  }
0x3: {  	s2 =	simm.s32 $0x0;
	s9 =	simm.s32 $0x400;
	s10 =	simm.s32 $0x2780  }
0x4: {  	s11 =	simm.s32 $0x1;
	s12 =	simm.s32 $0x2;
	s13 =	simm.s32 $0x4F00  }
0x5: {  	s14 =	simm.s32 $0x7680;
	s15 =	simm.s32 $0x100;
	s16 =	simm.s32 $0x3  }
0x6: {  	s17 =	simm.s32 $0x0;
	s3 =	sand.u32 $0x1, s1;
	s28 =	sshll.u32 s0, $0x1  }
0x7: {  	s29 =	sshrl.u32 s0, $0x2;
	s1 =	rddreg [dreg:$0x2];
	s5 =	sor.u32 s3, s28  }
0x8: {  	[smem:$0x7FF] =	sst s2;
	s7 =	smul.u32 $0x13C00, s29;
	s8 =	sshll.u32 s5, $0x7  }
0x9: {  	s3 =	ssub.s32 $0x2, s3;
	s5 =	smul.u32 $0x9E0, s5;
	s8 =	sand.u32 $0x380, s8  }
0xa: {  	_ =	strace $0x80000047;
	s30 =	sshrl.u32 s3, $0x1;
	s7 =	sor.u32 s7, s8  }
0xb: {  	s31 =	ssub.s32 s3, s30;
	s5 =	sadd.s32 s6, s5;
	s7 =	sshrl.u32 s7, $0x3  }
0xc: {  	s8 =	simm.s32 $0x80;
	s6 =	sadd.s32 $0x10, s5;
	s4 =	sadd.s32 s7, s4  }
0xd: {  	v0 =	vimm.f32 $0.0e+00;
	v1 =	vimm.f32 $1.000000000e+00;
	s7 =	smax.u32 s31, $0x1;
	s3 =	sadd.s32 $0x16000, s4;
	s4 =	sadd.s32 $0x1FE00, s4  }
.LBB2_1:
0xe: {  	[tilespmem:s2], [sflag:$0x1] =	stream.strided.gather [hbm4b:s3+s8], $0x2780, s9, s8, $0x38;
	[tilespmem:$0x9E00] =	vst v63  }
0xf: {  	s18 =	simm.s32 $0x40;
	s19 =	simm.s32 $0x0  }
0x10: {  	[tilespmem:s10], [sflag:$0x2] =	stream.strided.gather [hbm4b:s4+s8], $0x2780, s9, s8, $0x38;
	[tilespmem:$0x9E00] =	vst v63  }
.LBB2_2:
0x11: {  	p0 =	sne.s32 s18, $0x9C00;
	[tilespmem:s19+$0x4F00] =	vst v0;
	s20 =	smov.u32 s18;
	s18 =	sadd.s32 $0x40, s18  }
.Ltmp0:
0x12: {  	[tilespmem:s19+$0x7680] =	vst v0;
	(pc) =	sbr.rel @p0 .LBB2_2-.Ltmp0, $2  }
0x13: {  	_ =	sdelay $0x2  }
0x14: {  	s19 =	sshra.s32 s20, $0x2  }
0x15: {  	[tilespmem:s19+$0x4F00] =	vst v0  }
0x16: {  	[tilespmem:s19+$0x7680] =	vst v0  }
0x17: {  	_ =	swait.ge [sflag:s11], $0x2780  }
0x18: {  	[sflag:s11] =	ssyncset.done $0x0  }
0x19: {  	[sflag:s11] =	ssyncadd.s32 $0xFFFFD880  }
0x1a: {  	_ =	swait.ge [sflag:s12], $0x2780  }
0x1b: {  	[sflag:s12] =	ssyncset.done $0x0  }
0x1c: {  	s18 =	simm.s32 $0x0;
	[sflag:s12] =	ssyncadd.s32 $0xFFFFD880  }
.LBB2_4:
0x1d: {  	s19 =	sshra.s32 s18, $0x2  }
0x1e: {  	v2 =	vld [tilespmem:s19+$0x0];
	_ =	sdelay $0x7  }
0x1f: {  	[tilespmem:v2+s13+$0x0] =	vst.idx.add.f32.msk $0xffff, v1  }
0x20: {  	v2 =	vld [tilespmem:s19+$0x2780];
	_ =	sdelay $0x7  }
0x21: {  	[tilespmem:v2+s14+$0x0] =	vst.idx.add.f32.msk $0xffff, v1  }
0x22: {  	v2 =	vld [tilespmem:s19+$0x10];
	_ =	sdelay $0x7  }
0x23: {  	[tilespmem:v2+s13+$0x0] =	vst.idx.add.f32.msk $0xffff, v1  }
0x24: {  	v2 =	vld [tilespmem:s19+$0x2790];
	_ =	sdelay $0x7  }
0x25: {  	[tilespmem:v2+s14+$0x0] =	vst.idx.add.f32.msk $0xffff, v1  }
0x26: {  	v2 =	vld [tilespmem:s19+$0x20];
	_ =	sdelay $0x7  }
0x27: {  	[tilespmem:v2+s13+$0x0] =	vst.idx.add.f32.msk $0xffff, v1  }
0x28: {  	v2 =	vld [tilespmem:s19+$0x27A0];
	_ =	sdelay $0x7  }
0x29: {  	[tilespmem:v2+s14+$0x0] =	vst.idx.add.f32.msk $0xffff, v1  }
0x2a: {  	v2 =	vld [tilespmem:s19+$0x30];
	_ =	sdelay $0x7  }
0x2b: {  	[tilespmem:v2+s13+$0x0] =	vst.idx.add.f32.msk $0xffff, v1  }
0x2c: {  	v2 =	vld [tilespmem:s19+$0x27B0];
	_ =	sdelay $0x7  }
0x2d: {  	[tilespmem:v2+s14+$0x0] =	vst.idx.add.f32.msk $0xffff, v1  }
0x2e: {  	v2 =	vld [tilespmem:s19+$0x40];
	_ =	sdelay $0x7  }
0x2f: {  	[tilespmem:v2+s13+$0x0] =	vst.idx.add.f32.msk $0xffff, v1  }
0x30: {  	v2 =	vld [tilespmem:s19+$0x27C0];
	_ =	sdelay $0x2  }
0x31: {  	p0 =	sne.s32 s18, $0x9B00  }
.Ltmp1:
0x32: {  	_ = 	snop;
	(pc) =	sbr.rel @p0 .LBB2_4-.Ltmp1, $2  }
0x33: {  	_ =	sdelay $0x2  }
0x34: {  	s18 =	sadd.s32 $0x140, s18;
	[tilespmem:v2+s14+$0x0] =	vst.idx.add.f32.msk $0xffff, v1  }
0x35: {  	[hbm4b:s5+s8] =	stream.strided.scatter [tilespmem:s13], [sflag:$0x3], $0x2780, s15, s8, $0x38;
	[tilespmem:$0x9E00] =	vst v63  }
0x36: {  	s17 =	sadd.s32 $0x1, s17;
	_ =	swait.ge [sflag:s16], $0x2780  }
0x37: {  	p0 =	sne.s32 s17, s7;
	[sflag:s16] =	ssyncset.done $0x0  }
.Ltmp2:
0x38: {  	[sflag:s16] =	ssyncadd.s32 $0xFFFFD880;
	(pc) =	sbr.rel @p0 .LBB2_1-.Ltmp2, $4  }
0x39: {  	[hbm4b:s6+s8] =	stream.strided.scatter [tilespmem:s14], [sflag:$0x3], $0x2780, s15, s8, $0x38;
	[tilespmem:$0x9E00] =	vst v63  }
0x3a: {  	_ =	swait.ge [sflag:s16], $0x2780  }
0x3b: {  	[sflag:s16] =	ssyncset.done $0x0  }
0x3c: {  	[sflag:s16] =	ssyncadd.s32 $0xFFFFD880  }
0x3d: {  	_ =	sfence.sel $0x180000  }
0x3e: {  	[bflag:$0x0] =	sbarrier.arrive $0xFFFF  }
0x3f: {  	p0 =	sne.s32 s0, $0x0;
	_ =	strace $0x90000047  }
0x40: {  	s0 =	sadd.s32 @!p0 $0x100000, s1;
	[bflag:$0x2] =	sbarrier.arrive $0xFFFF  }
0x41: {  	[sflag:s0] =	ssyncadd.tile.s32 @!p0 $0x1;
	_ =	shalt  }
.Lfunc_end2:
_tile_overlayer_lowered:
.L_overlay_start_2:
0x42: {  	(tag) =	ssettag $0x2  }
0x43: {  	s0 =	rddreg [dreg:$0x0];
	s2 =	stileid.u32  }
0x44: {  	s1 =	rddreg [dreg:$0x1];
	p0 =	sne.s32 s2, $0x0  }
0x45: {  	s3 =	rddreg [dreg:$0x2];
	[bflag:$0x3] =	sbarrier.arrive $0xFFFF;
	s2 =	simm.s32 @!p0 $0x1C03  }
0x46: {  	[timem:s3], [sflag:s2] =	dma.local @!p0 [hbm:s0], s1  }
0x47: {  	s0 =	simm.s32 @!p0 $0x3  }
0x48: {  	_ =	swait.ge @!p0 [sflag:s0], s1  }
0x49: {  	s1 =	ssub.s32 @!p0 $0x0, s1;
	[sflag:s0] =	ssyncset.done @!p0 $0x0  }
0x4a: {  	[sflag:s0] =	ssyncadd.s32 @!p0 s1  }
0x4b: {  	[bflag:$0x3] =	sbarrier.arrive $0xFFFF  }
0x4c: {  	_ =	shalt  }

</sc_bundles>
